<compile_context>
chip_gen: v7x
topology: tpu7x:2x2x1
jax: 0.10.2.dev20260603
libtpu: 0.0.44.dev20260713+nightly
codegen_flags: <defaults>
</compile_context>

<pallas_src>
import functools

import jax
import jax.numpy as jnp
from jax import lax
from jax.experimental import pallas as pl
from jax.experimental.pallas import tpu as pltpu
from jax.experimental.pallas import tpu_sc as plsc

ROWS = 64
N = 8192
K_OUT = 64
INT_MIN = -2147483648
U = 4
NEG_INF = float("-inf")


def _s16(v):
    k, _ = plsc.sort_key_val(v, v, descending=True)
    return k


def _rev(v):
    return lax.rev(v, (0,))


def _merge2(a, b):
    rb = _rev(b)
    return _s16(jnp.maximum(a, rb)), _s16(jnp.minimum(a, rb))


def _merge4(a0, a1, b0, b1):
    rb0, rb1 = _rev(b1), _rev(b0)
    hi0, hi1 = jnp.maximum(a0, rb0), jnp.maximum(a1, rb1)
    lo0, lo1 = jnp.minimum(a0, rb0), jnp.minimum(a1, rb1)
    u0, u1 = jnp.maximum(hi0, hi1), jnp.minimum(hi0, hi1)
    u2, u3 = jnp.maximum(lo0, lo1), jnp.minimum(lo0, lo1)
    return _s16(u0), _s16(u1), _s16(u2), _s16(u3)


def _top64_of_two64(a, b):
    a0, a1, a2, a3 = a
    b0, b1, b2, b3 = b
    c0 = jnp.maximum(a0, _rev(b3))
    c1 = jnp.maximum(a1, _rev(b2))
    c2 = jnp.maximum(a2, _rev(b1))
    c3 = jnp.maximum(a3, _rev(b0))
    p0, p2 = jnp.maximum(c0, c2), jnp.minimum(c0, c2)
    p1, p3 = jnp.maximum(c1, c3), jnp.minimum(c1, c3)
    q0, q1 = jnp.maximum(p0, p1), jnp.minimum(p0, p1)
    q2, q3 = jnp.maximum(p2, p3), jnp.minimum(p2, p3)
    return _s16(q0), _s16(q1), _s16(q2), _s16(q3)


def _sort64(v0, v1, v2, v3):
    a0, a1 = _merge2(_s16(v0), _s16(v1))
    b0, b1 = _merge2(_s16(v2), _s16(v3))
    return _merge4(a0, a1, b0, b1)


def _to_key(x16):
    b = lax.bitcast_convert_type(x16, jnp.int32)
    return jnp.where(b < 0, ~b, b | jnp.int32(INT_MIN))


def _from_key(k16):
    b = jnp.where(k16 < 0, k16 & jnp.int32(0x7FFFFFFF), ~k16)
    return lax.bitcast_convert_type(b, jnp.float32)


def _pcnt(mask):
    return plsc.all_reduce_population_count(mask)[0]


def _sc_topk_body(x_hbm, out_hbm, xv, keys, cbuf, outv, sem):
    del sem
    wid = lax.axis_index("s") * 2 + lax.axis_index("c")
    lane = lax.broadcasted_iota(jnp.int32, (16,), 0)

    def do_row(j, _):
        row = wid * 2 + j
        pltpu.sync_copy(x_hbm.at[row], xv)

        ninf = jnp.full((16,), NEG_INF, jnp.float32)
        for q in range(8):
            cbuf[pl.ds(q * 16, 16)] = ninf

        def harvest(hi_base, hi_cnt, cur):
            def cp(i, cur):
                k16 = keys[pl.ds(hi_base + i * 16, 16)]
                msk = lane + i * 16 < hi_cnt
                plsc.store_compressed(cbuf.at[pl.ds(cur, 16)],
                                      _from_key(k16), mask=msk)
                return cur + jnp.minimum(hi_cnt - i * 16, jnp.int32(16))

            ncp = lax.shift_right_arithmetic(hi_cnt + 15, 4)
            return lax.fori_loop(0, ncp, cp, cur)

        m31 = jnp.int32(INT_MIN)

        def part31(i, carry):
            o1, o0 = carry
            for u in range(U):
                x16 = xv[pl.ds(i * (16 * U) + u * 16, 16)]
                k16 = _to_key(x16)
                bit = (k16 & m31) != 0
                nbit = jnp.logical_not(bit)
                plsc.store_compressed(keys.at[pl.ds(o1, 16)], k16, mask=bit)
                plsc.store_compressed(keys.at[pl.ds(o0, 16)], k16, mask=nbit)
                pc1 = _pcnt(bit)
                o1 = o1 + pc1
                o0 = o0 + (16 - pc1)
            return o1, o0

        o1, o0 = lax.fori_loop(0, N // (16 * U), part31,
                               (jnp.int32(0), jnp.int32(N)))
        cnt1 = o1
        r_left = jnp.int32(K_OUT)
        take1 = cnt1 >= r_left
        cur = harvest(jnp.int32(0), jnp.where(take1, 0, cnt1), jnp.int32(0))
        r_left = jnp.where(take1, r_left, r_left - cnt1)
        n_cur = jnp.where(take1, cnt1, jnp.int32(N) - cnt1)
        src = jnp.where(take1, jnp.int32(0), jnp.int32(N))
        d1 = jnp.int32(2 * N)
        d0 = jnp.where(take1, jnp.int32(N), jnp.int32(0))

        def cond(state):
            _, _, _, n_cur, _, _, it = state
            return jnp.logical_and(n_cur > K_OUT, it < 31)

        def bitstep(state):
            src, d1, d0, n_cur, r_left, cur, it = state
            m = lax.shift_left(jnp.int32(1), 30 - it)
            nch = lax.shift_right_arithmetic(n_cur + (16 * U - 1), 6)

            def part(i, carry):
                o1, o0 = carry
                for u in range(U):
                    base = i * (16 * U) + u * 16
                    k16 = keys[pl.ds(src + base, 16)]
                    rem = n_cur - base
                    valid = lane < rem
                    bit = (k16 & m) != 0
                    m1 = jnp.logical_and(bit, valid)
                    m0 = jnp.logical_and(jnp.logical_not(bit), valid)
                    plsc.store_compressed(keys.at[pl.ds(o1, 16)], k16, mask=m1)
                    plsc.store_compressed(keys.at[pl.ds(o0, 16)], k16, mask=m0)
                    pc1 = _pcnt(m1)
                    pcv = jnp.clip(rem, 0, 16)
                    o1 = o1 + pc1
                    o0 = o0 + (pcv - pc1)
                return o1, o0

            o1, o0 = lax.fori_loop(0, nch, part, (d1, d0))
            cnt1 = o1 - d1
            take1 = cnt1 >= r_left
            cur = harvest(d1, jnp.where(take1, 0, cnt1), cur)
            r_left = jnp.where(take1, r_left, r_left - cnt1)
            n_new = jnp.where(take1, cnt1, n_cur - cnt1)
            src_new = jnp.where(take1, d1, d0)
            d0_new = jnp.where(take1, d0, d1)
            return (src_new, src, d0_new, n_new, r_left, cur, it + 1)

        src, d1, d0, n_cur, r_left, cur, _ = lax.while_loop(
            cond, bitstep,
            (src, d1, d0, n_cur, r_left, cur, jnp.int32(0)))

        for q in range(4):
            k16 = keys[pl.ds(src + q * 16, 16)]
            msk = lane + q * 16 < n_cur
            plsc.store_compressed(cbuf.at[pl.ds(cur + q * 16, 16)],
                                  _from_key(k16), mask=msk)

        a = _sort64(cbuf[pl.ds(0, 16)], cbuf[pl.ds(16, 16)],
                    cbuf[pl.ds(32, 16)], cbuf[pl.ds(48, 16)])
        b = _sort64(cbuf[pl.ds(64, 16)], cbuf[pl.ds(80, 16)],
                    cbuf[pl.ds(96, 16)], cbuf[pl.ds(112, 16)])
        s0, s1, s2, s3 = _top64_of_two64(a, b)
        outv[pl.ds(0, 16)] = s0
        outv[pl.ds(16, 16)] = s1
        outv[pl.ds(32, 16)] = s2
        outv[pl.ds(48, 16)] = s3
        pltpu.sync_copy(outv, out_hbm.at[row])
        return _

    lax.fori_loop(0, 2, do_row, 0)


@jax.jit
def kernel(inputs):
    mesh = plsc.VectorSubcoreMesh(core_axis_name="c", subcore_axis_name="s")
    f = functools.partial(
        pl.kernel,
        mesh=mesh,
        compiler_params=pltpu.CompilerParams(needs_layout_passes=False),
        out_type=jax.ShapeDtypeStruct((ROWS, K_OUT), jnp.float32),
        scratch_types=[
            pltpu.VMEM((N,), jnp.float32),
            pltpu.VMEM((3 * N + 64,), jnp.int32),
            pltpu.VMEM((128 + 80,), jnp.float32),
            pltpu.VMEM((K_OUT,), jnp.float32),
            pltpu.SemaphoreType.DMA,
        ],
    )(_sc_topk_body)
    return f(inputs)

# --- scband reference (transcript-rebuilt; emitter-appended) ---
"""Pipeline reference for scband-kmax-pooling-41549513621828 (READ-ONLY COPY).

The authoritative reference and input builder live on the scoring server;
editing this copy changes nothing except your own understanding.
"""

import jax, jax.numpy as jnp
import numpy as np

K_TOP = 64

def setup_inputs(seed: int = 0) -> dict:
    key = jax.random.key(seed)
    inputs = jax.random.normal(key, (64, 8192), dtype=jnp.float32)
    return {"inputs": inputs}

def reference(inputs):
    # KMaxPooling: top-k values along last dim, sorted descending
    top_k_vals, _ = jax.lax.top_k(inputs, K_TOP)
    return top_k_vals

if __name__ == "__main__":
    import jax
    _d = setup_inputs()
    print(jax.jit(kernel)(*tuple(_d.values())))

</pallas_src>

<mosaic_0001>
#map = affine_map<(d0, d1) -> (0, 0)>
module attributes {stable_mosaic.version = 14 : i64} {
  func.func @_sc_topk_body(%arg0: i32, %arg1: i32, %arg2: memref<64x8192xf32, #tpu.memory_space<hbm>>, %arg3: memref<64x64xf32, #tpu.memory_space<hbm>>, %arg4: memref<8192xf32, #tpu.memory_space<vmem>>, %arg5: memref<24640xi32, #tpu.memory_space<vmem>>, %arg6: memref<208xf32, #tpu.memory_space<vmem>>, %arg7: memref<64xf32, #tpu.memory_space<vmem>>, %arg8: memref<!tpu.dma_semaphore, #tpu.memory_space<semaphore_mem>>) attributes {dimension_semantics = [#tpu.dimension_semantics<core_parallel>, #tpu.dimension_semantics<subcore_parallel>], iteration_bounds = array<i64: 2, 16>, scalar_prefetch = 0 : i64, scratch_operands = 5 : i64, tpu.core_type = #tpu.core_type<sc_vector_subcore>, window_params = [{transform_indices = #map}, {transform_indices = #map}]} {
    %mul3A = arith.constant 2 : i32
    %mul3A_0 = arith.muli %arg1, %mul3A : i32
    %add3A = arith.addi %mul3A_0, %arg0 : i32
    %iota3A = tpu.iota {dimensions = array<i32: 0>} : vector<16xi32>
    %scan3A = arith.constant 0 : i32
    %scan3A_1 = arith.constant 0 : i32
    %scan3A_2 = arith.constant 2 : i32
    %scan3A_3 = arith.addi %scan3A_1, %scan3A_2 : i32
    %scan3A_4 = arith.constant 1 : i32
    %scan3A_5 = scf.for %scan3A_7 = %scan3A_1 to %scan3A_3 step %scan3A_4 iter_args(%scan3A_8 = %scan3A) -> (i32)  : i32 {
      %mul3A_9 = arith.constant 2 : i32
      %mul3A_10 = arith.muli %add3A, %mul3A_9 : i32
      %add3A_11 = arith.addi %mul3A_10, %scan3A_7 : i32
      "tpu.region"() ({
        %run_scoped3A = tpu.sem_alloc : memref<!tpu.dma_semaphore, #tpu.memory_space<semaphore_mem>>
        %dma_start3A = arith.constant 0 : i32
        %dma_start3A_383 = tpu.memref_slice %arg2[%add3A_11, %dma_start3A] : memref<64x8192xf32, #tpu.memory_space<hbm>> -> memref<1x8192xf32, #tpu.memory_space<hbm>>
        %dma_start3A_384 = tpu.memref_squeeze %dma_start3A_383 : memref<1x8192xf32, #tpu.memory_space<hbm>> -> memref<8192xf32, #tpu.memory_space<hbm>>
        %dma_start3A_385 = arith.constant 0 : i32
        %dma_start3A_386 = tpu.memref_slice %arg2[%add3A_11, %dma_start3A_385] : memref<64x8192xf32, #tpu.memory_space<hbm>> -> memref<1x8192xf32, #tpu.memory_space<hbm>>
        %dma_start3A_387 = tpu.memref_squeeze %dma_start3A_386 : memref<1x8192xf32, #tpu.memory_space<hbm>> -> memref<8192xf32, #tpu.memory_space<hbm>>
        tpu.enqueue_dma source(%dma_start3A_387 : memref<8192xf32, #tpu.memory_space<hbm>>) target(%arg4 : memref<8192xf32, #tpu.memory_space<vmem>>) target_semaphore(%run_scoped3A : memref<!tpu.dma_semaphore, #tpu.memory_space<semaphore_mem>>)
        %dma_wait3A = arith.constant 0 : i32
        %dma_wait3A_388 = tpu.memref_slice %arg2[%add3A_11, %dma_wait3A] : memref<64x8192xf32, #tpu.memory_space<hbm>> -> memref<1x8192xf32, #tpu.memory_space<hbm>>
        %dma_wait3A_389 = tpu.memref_squeeze %dma_wait3A_388 : memref<1x8192xf32, #tpu.memory_space<hbm>> -> memref<8192xf32, #tpu.memory_space<hbm>>
        %dma_wait3A_390 = arith.constant 0 : i32
        %dma_wait3A_391 = tpu.memref_slice %arg2[%add3A_11, %dma_wait3A_390] : memref<64x8192xf32, #tpu.memory_space<hbm>> -> memref<1x8192xf32, #tpu.memory_space<hbm>>
        %dma_wait3A_392 = tpu.memref_squeeze %dma_wait3A_391 : memref<1x8192xf32, #tpu.memory_space<hbm>> -> memref<8192xf32, #tpu.memory_space<hbm>>
        tpu.wait_dma2 semaphore(%run_scoped3A : memref<!tpu.dma_semaphore, #tpu.memory_space<semaphore_mem>>) src(%dma_wait3A_392 : memref<8192xf32, #tpu.memory_space<hbm>>) dst(%arg4 : memref<8192xf32, #tpu.memory_space<vmem>>)
        tpu.yield
      }) : () -> ()
      %broadcast_in_dim3A = arith.constant 0xFF800000 : f32
      %broadcast_in_dim3A_12 = vector.broadcast %broadcast_in_dim3A : f32 to vector<16xf32>
      %swap3A = arith.constant 0 : index
      %swap3A_13 = tpu.vector_load %arg6[%swap3A] {strides = array<i32>} : memref<208xf32, #tpu.memory_space<vmem>>, vector<16xf32>,
      tpu.vector_store %arg6[%swap3A], %broadcast_in_dim3A_12 {strides = array<i32>} : memref<208xf32, #tpu.memory_space<vmem>>, vector<16xf32>,
      %swap3A_14 = arith.constant 16 : index
      %swap3A_15 = tpu.vector_load %arg6[%swap3A_14] {strides = array<i32>} : memref<208xf32, #tpu.memory_space<vmem>>, vector<16xf32>,
      tpu.vector_store %arg6[%swap3A_14], %broadcast_in_dim3A_12 {strides = array<i32>} : memref<208xf32, #tpu.memory_space<vmem>>, vector<16xf32>,
      %swap3A_16 = arith.constant 32 : index
      %swap3A_17 = tpu.vector_load %arg6[%swap3A_16] {strides = array<i32>} : memref<208xf32, #tpu.memory_space<vmem>>, vector<16xf32>,
      tpu.vector_store %arg6[%swap3A_16], %broadcast_in_dim3A_12 {strides = array<i32>} : memref<208xf32, #tpu.memory_space<vmem>>, vector<16xf32>,
      %swap3A_18 = arith.constant 48 : index
      %swap3A_19 = tpu.vector_load %arg6[%swap3A_18] {strides = array<i32>} : memref<208xf32, #tpu.memory_space<vmem>>, vector<16xf32>,
      tpu.vector_store %arg6[%swap3A_18], %broadcast_in_dim3A_12 {strides = array<i32>} : memref<208xf32, #tpu.memory_space<vmem>>, vector<16xf32>,
      %swap3A_20 = arith.constant 64 : index
      %swap3A_21 = tpu.vector_load %arg6[%swap3A_20] {strides = array<i32>} : memref<208xf32, #tpu.memory_space<vmem>>, vector<16xf32>,
      tpu.vector_store %arg6[%swap3A_20], %broadcast_in_dim3A_12 {strides = array<i32>} : memref<208xf32, #tpu.memory_space<vmem>>, vector<16xf32>,
      %swap3A_22 = arith.constant 80 : index
      %swap3A_23 = tpu.vector_load %arg6[%swap3A_22] {strides = array<i32>} : memref<208xf32, #tpu.memory_space<vmem>>, vector<16xf32>,
      tpu.vector_store %arg6[%swap3A_22], %broadcast_in_dim3A_12 {strides = array<i32>} : memref<208xf32, #tpu.memory_space<vmem>>, vector<16xf32>,
      %swap3A_24 = arith.constant 96 : index
      %swap3A_25 = tpu.vector_load %arg6[%swap3A_24] {strides = array<i32>} : memref<208xf32, #tpu.memory_space<vmem>>, vector<16xf32>,
      tpu.vector_store %arg6[%swap3A_24], %broadcast_in_dim3A_12 {strides = array<i32>} : memref<208xf32, #tpu.memory_space<vmem>>, vector<16xf32>,
      %swap3A_26 = arith.constant 112 : index
      %swap3A_27 = tpu.vector_load %arg6[%swap3A_26] {strides = array<i32>} : memref<208xf32, #tpu.memory_space<vmem>>, vector<16xf32>,
      tpu.vector_store %arg6[%swap3A_26], %broadcast_in_dim3A_12 {strides = array<i32>} : memref<208xf32, #tpu.memory_space<vmem>>, vector<16xf32>,
      %scan3A_28 = arith.constant -2147483648 : i32
      %scan3A_29 = arith.constant 0 : i32
      %scan3A_30 = arith.constant 8192 : i32
      %scan3A_31 = arith.constant 0 : i32
      %scan3A_32 = arith.constant 128 : i32
      %scan3A_33 = arith.addi %scan3A_31, %scan3A_32 : i32
      %scan3A_34 = arith.constant 1 : i32
      %scan3A_35:2 = scf.for %scan3A_383 = %scan3A_31 to %scan3A_33 step %scan3A_34 iter_args(%scan3A_384 = %scan3A_29, %scan3A_385 = %scan3A_30) -> (i32, i32)  : i32 {
        %mul3A_386 = arith.constant 64 : i32
        %mul3A_387 = arith.muli %scan3A_383, %mul3A_386 : i32
        %add3A_388 = arith.constant 0 : i32
        %add3A_389 = arith.addi %mul3A_387, %add3A_388 : i32
        %get3A_390 = arith.index_cast %add3A_389 : i32 to index
        %get3A_391 = tpu.vector_load %arg4[%get3A_390] {strides = array<i32>} : memref<8192xf32, #tpu.memory_space<vmem>>, vector<16xf32>,
        %bitcast_convert_type3A_392 = tpu.bitcast %get3A_391 : vector<16xf32> -> vector<16xi32>
        %lt3A_393 = arith.constant 0 : i32
        %lt3A_394 = vector.broadcast %lt3A_393 : i32 to vector<16xi32>
        %lt3A_395 = arith.cmpi slt, %bitcast_convert_type3A_392, %lt3A_394 : vector<16xi32>
        %not3A_396 = arith.constant dense<-1> : vector<16xi32>
        %not3A_397 = arith.xori %bitcast_convert_type3A_392, %not3A_396 : vector<16xi32>
        %or3A = arith.constant -2147483648 : i32
        %or3A_398 = vector.broadcast %or3A : i32 to vector<16xi32>
        %or3A_399 = arith.ori %bitcast_convert_type3A_392, %or3A_398 : vector<16xi32>
        %select_n3A_400 = arith.select %lt3A_395, %not3A_397, %or3A_399 : vector<16xi1>, vector<16xi32>
        %and3A_401 = vector.broadcast %scan3A_28 : i32 to vector<16xi32>
        %and3A_402 = arith.andi %select_n3A_400, %and3A_401 : vector<16xi32>
        %ne3A = arith.constant 0 : i32
        %ne3A_403 = vector.broadcast %ne3A : i32 to vector<16xi32>
        %ne3A_404 = arith.cmpi ne, %and3A_402, %ne3A_403 : vector<16xi32>
        %not3A_405 = arith.constant dense<true> : vector<16xi1>
        %not3A_406 = arith.xori %ne3A_404, %not3A_405 : vector<16xi1>
        %swap3A_407 = arith.index_cast %scan3A_384 : i32 to index
        %swap3A_408 = tpu.vector_load %arg5[%swap3A_407] masked %ne3A_404 {strides = array<i32>} : memref<24640xi32, #tpu.memory_space<vmem>>, vector<16xi32>, vector<16xi1>
        tpu.vector_store %arg5[%swap3A_407], %select_n3A_400 masked %ne3A_404 {strides = array<i32>} : memref<24640xi32, #tpu.memory_space<vmem>>, vector<16xi32>, vector<16xi1>
        %swap3A_409 = arith.index_cast %scan3A_385 : i32 to index
        %swap3A_410 = tpu.vector_load %arg5[%swap3A_409] masked %not3A_406 {strides = array<i32>} : memref<24640xi32, #tpu.memory_space<vmem>>, vector<16xi32>, vector<16xi1>
        tpu.vector_store %arg5[%swap3A_409], %select_n3A_400 masked %not3A_406 {strides = array<i32>} : memref<24640xi32, #tpu.memory_space<vmem>>, vector<16xi32>, vector<16xi1>
        %all_reduce_population_count3A = tpu.all_reduce %ne3A_404 {dim = 0 : i64, kind = #tpu.reduction_kind<sum>} : vector<16xi1> -> vector<16xi32>
        %slice3A = vector.extract_strided_slice %all_reduce_population_count3A {offsets = [0], sizes = [1], strides = [1]} : vector<16xi32> to vector<1xi32>
        %squeeze3A = vector.extract %slice3A[0] : i32 from vector<1xi32>
        %add3A_411 = arith.addi %scan3A_384, %squeeze3A : i32
        %sub3A_412 = arith.constant 16 : i32
        %sub3A_413 = arith.subi %sub3A_412, %squeeze3A : i32
        %add3A_414 = arith.addi %scan3A_385, %sub3A_413 : i32
        %mul3A_415 = arith.constant 64 : i32
        %mul3A_416 = arith.muli %scan3A_383, %mul3A_415 : i32
        %add3A_417 = arith.constant 16 : i32
        %add3A_418 = arith.addi %mul3A_416, %add3A_417 : i32
        %get3A_419 = arith.index_cast %add3A_418 : i32 to index
        %get3A_420 = tpu.vector_load %arg4[%get3A_419] {strides = array<i32>} : memref<8192xf32, #tpu.memory_space<vmem>>, vector<16xf32>,
        %bitcast_convert_type3A_421 = tpu.bitcast %get3A_420 : vector<16xf32> -> vector<16xi32>
        %lt3A_422 = arith.constant 0 : i32
        %lt3A_423 = vector.broadcast %lt3A_422 : i32 to vector<16xi32>
        %lt3A_424 = arith.cmpi slt, %bitcast_convert_type3A_421, %lt3A_423 : vector<16xi32>
        %not3A_425 = arith.constant dense<-1> : vector<16xi32>
        %not3A_426 = arith.xori %bitcast_convert_type3A_421, %not3A_425 : vector<16xi32>
        %or3A_427 = arith.constant -2147483648 : i32
        %or3A_428 = vector.broadcast %or3A_427 : i32 to vector<16xi32>
        %or3A_429 = arith.ori %bitcast_convert_type3A_421, %or3A_428 : vector<16xi32>
        %select_n3A_430 = arith.select %lt3A_424, %not3A_426, %or3A_429 : vector<16xi1>, vector<16xi32>
        %and3A_431 = vector.broadcast %scan3A_28 : i32 to vector<16xi32>
        %and3A_432 = arith.andi %select_n3A_430, %and3A_431 : vector<16xi32>
        %ne3A_433 = arith.constant 0 : i32
        %ne3A_434 = vector.broadcast %ne3A_433 : i32 to vector<16xi32>
        %ne3A_435 = arith.cmpi ne, %and3A_432, %ne3A_434 : vector<16xi32>
        %not3A_436 = arith.constant dense<true> : vector<16xi1>
        %not3A_437 = arith.xori %ne3A_435, %not3A_436 : vector<16xi1>
        %swap3A_438 = arith.index_cast %add3A_411 : i32 to index
        %swap3A_439 = tpu.vector_load %arg5[%swap3A_438] masked %ne3A_435 {strides = array<i32>} : memref<24640xi32, #tpu.memory_space<vmem>>, vector<16xi32>, vector<16xi1>
        tpu.vector_store %arg5[%swap3A_438], %select_n3A_430 masked %ne3A_435 {strides = array<i32>} : memref<24640xi32, #tpu.memory_space<vmem>>, vector<16xi32>, vector<16xi1>
        %swap3A_440 = arith.index_cast %add3A_414 : i32 to index
        %swap3A_441 = tpu.vector_load %arg5[%swap3A_440] masked %not3A_437 {strides = array<i32>} : memref<24640xi32, #tpu.memory_space<vmem>>, vector<16xi32>, vector<16xi1>
        tpu.vector_store %arg5[%swap3A_440], %select_n3A_430 masked %not3A_437 {strides = array<i32>} : memref<24640xi32, #tpu.memory_space<vmem>>, vector<16xi32>, vector<16xi1>
        %all_reduce_population_count3A_442 = tpu.all_reduce %ne3A_435 {dim = 0 : i64, kind = #tpu.reduction_kind<sum>} : vector<16xi1> -> vector<16xi32>
        %slice3A_443 = vector.extract_strided_slice %all_reduce_population_count3A_442 {offsets = [0], sizes = [1], strides = [1]} : vector<16xi32> to vector<1xi32>
        %squeeze3A_444 = vector.extract %slice3A_443[0] : i32 from vector<1xi32>
        %add3A_445 = arith.addi %add3A_411, %squeeze3A_444 : i32
        %sub3A_446 = arith.constant 16 : i32
        %sub3A_447 = arith.subi %sub3A_446, %squeeze3A_444 : i32
        %add3A_448 = arith.addi %add3A_414, %sub3A_447 : i32
        %mul3A_449 = arith.constant 64 : i32
        %mul3A_450 = arith.muli %scan3A_383, %mul3A_449 : i32
        %add3A_451 = arith.constant 32 : i32
        %add3A_452 = arith.addi %mul3A_450, %add3A_451 : i32
        %get3A_453 = arith.index_cast %add3A_452 : i32 to index
        %get3A_454 = tpu.vector_load %arg4[%get3A_453] {strides = array<i32>} : memref<8192xf32, #tpu.memory_space<vmem>>, vector<16xf32>,
        %bitcast_convert_type3A_455 = tpu.bitcast %get3A_454 : vector<16xf32> -> vector<16xi32>
        %lt3A_456 = arith.constant 0 : i32
        %lt3A_457 = vector.broadcast %lt3A_456 : i32 to vector<16xi32>
        %lt3A_458 = arith.cmpi slt, %bitcast_convert_type3A_455, %lt3A_457 : vector<16xi32>
        %not3A_459 = arith.constant dense<-1> : vector<16xi32>
        %not3A_460 = arith.xori %bitcast_convert_type3A_455, %not3A_459 : vector<16xi32>
        %or3A_461 = arith.constant -2147483648 : i32
        %or3A_462 = vector.broadcast %or3A_461 : i32 to vector<16xi32>
        %or3A_463 = arith.ori %bitcast_convert_type3A_455, %or3A_462 : vector<16xi32>
        %select_n3A_464 = arith.select %lt3A_458, %not3A_460, %or3A_463 : vector<16xi1>, vector<16xi32>
        %and3A_465 = vector.broadcast %scan3A_28 : i32 to vector<16xi32>
        %and3A_466 = arith.andi %select_n3A_464, %and3A_465 : vector<16xi32>
        %ne3A_467 = arith.constant 0 : i32
        %ne3A_468 = vector.broadcast %ne3A_467 : i32 to vector<16xi32>
        %ne3A_469 = arith.cmpi ne, %and3A_466, %ne3A_468 : vector<16xi32>
        %not3A_470 = arith.constant dense<true> : vector<16xi1>
        %not3A_471 = arith.xori %ne3A_469, %not3A_470 : vector<16xi1>
        %swap3A_472 = arith.index_cast %add3A_445 : i32 to index
        %swap3A_473 = tpu.vector_load %arg5[%swap3A_472] masked %ne3A_469 {strides = array<i32>} : memref<24640xi32, #tpu.memory_space<vmem>>, vector<16xi32>, vector<16xi1>
        tpu.vector_store %arg5[%swap3A_472], %select_n3A_464 masked %ne3A_469 {strides = array<i32>} : memref<24640xi32, #tpu.memory_space<vmem>>, vector<16xi32>, vector<16xi1>
        %swap3A_474 = arith.index_cast %add3A_448 : i32 to index
        %swap3A_475 = tpu.vector_load %arg5[%swap3A_474] masked %not3A_471 {strides = array<i32>} : memref<24640xi32, #tpu.memory_space<vmem>>, vector<16xi32>, vector<16xi1>
        tpu.vector_store %arg5[%swap3A_474], %select_n3A_464 masked %not3A_471 {strides = array<i32>} : memref<24640xi32, #tpu.memory_space<vmem>>, vector<16xi32>, vector<16xi1>
        %all_reduce_population_count3A_476 = tpu.all_reduce %ne3A_469 {dim = 0 : i64, kind = #tpu.reduction_kind<sum>} : vector<16xi1> -> vector<16xi32>
        %slice3A_477 = vector.extract_strided_slice %all_reduce_population_count3A_476 {offsets = [0], sizes = [1], strides = [1]} : vector<16xi32> to vector<1xi32>
        %squeeze3A_478 = vector.extract %slice3A_477[0] : i32 from vector<1xi32>
        %add3A_479 = arith.addi %add3A_445, %squeeze3A_478 : i32
        %sub3A_480 = arith.constant 16 : i32
        %sub3A_481 = arith.subi %sub3A_480, %squeeze3A_478 : i32
        %add3A_482 = arith.addi %add3A_448, %sub3A_481 : i32
        %mul3A_483 = arith.constant 64 : i32
        %mul3A_484 = arith.muli %scan3A_383, %mul3A_483 : i32
        %add3A_485 = arith.constant 48 : i32
        %add3A_486 = arith.addi %mul3A_484, %add3A_485 : i32
        %get3A_487 = arith.index_cast %add3A_486 : i32 to index
        %get3A_488 = tpu.vector_load %arg4[%get3A_487] {strides = array<i32>} : memref<8192xf32, #tpu.memory_space<vmem>>, vector<16xf32>,
        %bitcast_convert_type3A_489 = tpu.bitcast %get3A_488 : vector<16xf32> -> vector<16xi32>
        %lt3A_490 = arith.constant 0 : i32
        %lt3A_491 = vector.broadcast %lt3A_490 : i32 to vector<16xi32>
        %lt3A_492 = arith.cmpi slt, %bitcast_convert_type3A_489, %lt3A_491 : vector<16xi32>
        %not3A_493 = arith.constant dense<-1> : vector<16xi32>
        %not3A_494 = arith.xori %bitcast_convert_type3A_489, %not3A_493 : vector<16xi32>
        %or3A_495 = arith.constant -2147483648 : i32
        %or3A_496 = vector.broadcast %or3A_495 : i32 to vector<16xi32>
        %or3A_497 = arith.ori %bitcast_convert_type3A_489, %or3A_496 : vector<16xi32>
        %select_n3A_498 = arith.select %lt3A_492, %not3A_494, %or3A_497 : vector<16xi1>, vector<16xi32>
        %and3A_499 = vector.broadcast %scan3A_28 : i32 to vector<16xi32>
        %and3A_500 = arith.andi %select_n3A_498, %and3A_499 : vector<16xi32>
        %ne3A_501 = arith.constant 0 : i32
        %ne3A_502 = vector.broadcast %ne3A_501 : i32 to vector<16xi32>
        %ne3A_503 = arith.cmpi ne, %and3A_500, %ne3A_502 : vector<16xi32>
        %not3A_504 = arith.constant dense<true> : vector<16xi1>
        %not3A_505 = arith.xori %ne3A_503, %not3A_504 : vector<16xi1>
        %swap3A_506 = arith.index_cast %add3A_479 : i32 to index
        %swap3A_507 = tpu.vector_load %arg5[%swap3A_506] masked %ne3A_503 {strides = array<i32>} : memref<24640xi32, #tpu.memory_space<vmem>>, vector<16xi32>, vector<16xi1>
        tpu.vector_store %arg5[%swap3A_506], %select_n3A_498 masked %ne3A_503 {strides = array<i32>} : memref<24640xi32, #tpu.memory_space<vmem>>, vector<16xi32>, vector<16xi1>
        %swap3A_508 = arith.index_cast %add3A_482 : i32 to index
        %swap3A_509 = tpu.vector_load %arg5[%swap3A_508] masked %not3A_505 {strides = array<i32>} : memref<24640xi32, #tpu.memory_space<vmem>>, vector<16xi32>, vector<16xi1>
        tpu.vector_store %arg5[%swap3A_508], %select_n3A_498 masked %not3A_505 {strides = array<i32>} : memref<24640xi32, #tpu.memory_space<vmem>>, vector<16xi32>, vector<16xi1>
        %all_reduce_population_count3A_510 = tpu.all_reduce %ne3A_503 {dim = 0 : i64, kind = #tpu.reduction_kind<sum>} : vector<16xi1> -> vector<16xi32>
        %slice3A_511 = vector.extract_strided_slice %all_reduce_population_count3A_510 {offsets = [0], sizes = [1], strides = [1]} : vector<16xi32> to vector<1xi32>
        %squeeze3A_512 = vector.extract %slice3A_511[0] : i32 from vector<1xi32>
        %add3A_513 = arith.addi %add3A_479, %squeeze3A_512 : i32
        %sub3A_514 = arith.constant 16 : i32
        %sub3A_515 = arith.subi %sub3A_514, %squeeze3A_512 : i32
        %add3A_516 = arith.addi %add3A_482, %sub3A_515 : i32
        scf.yield %add3A_513, %add3A_516 : i32, i32
      }
      %scan3A_36 = arith.constant 128 : i32
      %ge3A = arith.constant 64 : i32
      %ge3A_37 = arith.cmpi sge, %scan3A_35#0, %ge3A : i32
      %jit3A = arith.constant 0 : i32
      %select_n3A = arith.select %ge3A_37, %jit3A, %scan3A_35#0 : i32
      %add3A_38 = arith.constant 15 : i32
      %add3A_39 = arith.addi %select_n3A, %add3A_38 : i32
      %shift_right_arithmetic3A = arith.constant 4 : i32
      %shift_right_arithmetic3A_40 = arith.shrsi %add3A_39, %shift_right_arithmetic3A : i32
      %while3A = arith.constant 0 : i32
      %while3A_41 = arith.constant 0 : i32
      %while3A_42 = arith.constant 0 : i32
      %while3A_43 = arith.subi %shift_right_arithmetic3A_40, %while3A_41 : i32
      %while3A_44 = arith.addi %while3A_41, %while3A_43 : i32
      %while3A_45 = arith.constant 1 : i32
      %while3A_46 = arith.divsi %while3A_43, %while3A_45 : i32
      %while3A_47 = arith.muli %while3A_46, %while3A_45 : i32
      %while3A_48 = arith.addi %while3A_41, %while3A_47 : i32
      %while3A_49 = arith.constant 1 : i32
      %while3A_50 = scf.for %while3A_383 = %while3A_41 to %while3A_48 step %while3A_49 iter_args(%while3A_384 = %while3A_42) -> (i32)  : i32 {
        %mul3A_385 = arith.constant 16 : i32
        %mul3A_386 = arith.muli %while3A_383, %mul3A_385 : i32
        %add3A_387 = arith.addi %while3A, %mul3A_386 : i32
        %get3A_388 = arith.index_cast %add3A_387 : i32 to index
        %get3A_389 = tpu.vector_load %arg5[%get3A_388] {strides = array<i32>} : memref<24640xi32, #tpu.memory_space<vmem>>, vector<16xi32>,
        %mul3A_390 = arith.constant 16 : i32
        %mul3A_391 = arith.muli %while3A_383, %mul3A_390 : i32
        %add3A_392 = vector.broadcast %mul3A_391 : i32 to vector<16xi32>
        %add3A_393 = arith.addi %iota3A, %add3A_392 : vector<16xi32>
        %lt3A_394 = vector.broadcast %select_n3A : i32 to vector<16xi32>
        %lt3A_395 = arith.cmpi slt, %add3A_393, %lt3A_394 : vector<16xi32>
        %lt3A_396 = arith.constant 0 : i32
        %lt3A_397 = vector.broadcast %lt3A_396 : i32 to vector<16xi32>
        %lt3A_398 = arith.cmpi slt, %get3A_389, %lt3A_397 : vector<16xi32>
        %and3A_399 = arith.constant 2147483647 : i32
        %and3A_400 = vector.broadcast %and3A_399 : i32 to vector<16xi32>
        %and3A_401 = arith.andi %get3A_389, %and3A_400 : vector<16xi32>
        %not3A_402 = arith.constant dense<-1> : vector<16xi32>
        %not3A_403 = arith.xori %get3A_389, %not3A_402 : vector<16xi32>
        %select_n3A_404 = arith.select %lt3A_398, %and3A_401, %not3A_403 : vector<16xi1>, vector<16xi32>
        %bitcast_convert_type3A_405 = tpu.bitcast %select_n3A_404 : vector<16xi32> -> vector<16xf32>
        %swap3A_406 = arith.index_cast %while3A_384 : i32 to index
        %swap3A_407 = tpu.vector_load %arg6[%swap3A_406] masked %lt3A_395 {strides = array<i32>} : memref<208xf32, #tpu.memory_space<vmem>>, vector<16xf32>, vector<16xi1>
        tpu.vector_store %arg6[%swap3A_406], %bitcast_convert_type3A_405 masked %lt3A_395 {strides = array<i32>} : memref<208xf32, #tpu.memory_space<vmem>>, vector<16xf32>, vector<16xi1>
        %mul3A_408 = arith.constant 16 : i32
        %mul3A_409 = arith.muli %while3A_383, %mul3A_408 : i32
        %sub3A_410 = arith.subi %select_n3A, %mul3A_409 : i32
        %min3A_411 = arith.constant 16 : i32
        %min3A_412 = arith.minsi %sub3A_410, %min3A_411 : i32
        %add3A_413 = arith.addi %while3A_384, %min3A_412 : i32
        scf.yield %add3A_413 : i32
      }
      %while3A_51 = arith.constant 1 : i32
      %while3A_52 = scf.for %while3A_383 = %while3A_48 to %while3A_44 step %while3A_51 iter_args(%while3A_384 = %while3A_50) -> (i32)  : i32 {
        %mul3A_385 = arith.constant 16 : i32
        %mul3A_386 = arith.muli %while3A_383, %mul3A_385 : i32
        %add3A_387 = arith.addi %while3A, %mul3A_386 : i32
        %get3A_388 = arith.index_cast %add3A_387 : i32 to index
        %get3A_389 = tpu.vector_load %arg5[%get3A_388] {strides = array<i32>} : memref<24640xi32, #tpu.memory_space<vmem>>, vector<16xi32>,
        %mul3A_390 = arith.constant 16 : i32
        %mul3A_391 = arith.muli %while3A_383, %mul3A_390 : i32
        %add3A_392 = vector.broadcast %mul3A_391 : i32 to vector<16xi32>
        %add3A_393 = arith.addi %iota3A, %add3A_392 : vector<16xi32>
        %lt3A_394 = vector.broadcast %select_n3A : i32 to vector<16xi32>
        %lt3A_395 = arith.cmpi slt, %add3A_393, %lt3A_394 : vector<16xi32>
        %lt3A_396 = arith.constant 0 : i32
        %lt3A_397 = vector.broadcast %lt3A_396 : i32 to vector<16xi32>
        %lt3A_398 = arith.cmpi slt, %get3A_389, %lt3A_397 : vector<16xi32>
        %and3A_399 = arith.constant 2147483647 : i32
        %and3A_400 = vector.broadcast %and3A_399 : i32 to vector<16xi32>
        %and3A_401 = arith.andi %get3A_389, %and3A_400 : vector<16xi32>
        %not3A_402 = arith.constant dense<-1> : vector<16xi32>
        %not3A_403 = arith.xori %get3A_389, %not3A_402 : vector<16xi32>
        %select_n3A_404 = arith.select %lt3A_398, %and3A_401, %not3A_403 : vector<16xi1>, vector<16xi32>
        %bitcast_convert_type3A_405 = tpu.bitcast %select_n3A_404 : vector<16xi32> -> vector<16xf32>
        %swap3A_406 = arith.index_cast %while3A_384 : i32 to index
        %swap3A_407 = tpu.vector_load %arg6[%swap3A_406] masked %lt3A_395 {strides = array<i32>} : memref<208xf32, #tpu.memory_space<vmem>>, vector<16xf32>, vector<16xi1>
        tpu.vector_store %arg6[%swap3A_406], %bitcast_convert_type3A_405 masked %lt3A_395 {strides = array<i32>} : memref<208xf32, #tpu.memory_space<vmem>>, vector<16xf32>, vector<16xi1>
        %mul3A_408 = arith.constant 16 : i32
        %mul3A_409 = arith.muli %while3A_383, %mul3A_408 : i32
        %sub3A_410 = arith.subi %select_n3A, %mul3A_409 : i32
        %min3A_411 = arith.constant 16 : i32
        %min3A_412 = arith.minsi %sub3A_410, %min3A_411 : i32
        %add3A_413 = arith.addi %while3A_384, %min3A_412 : i32
        scf.yield %add3A_413 : i32
      }
      %sub3A = arith.constant 64 : i32
      %sub3A_53 = arith.subi %sub3A, %scan3A_35#0 : i32
      %jit3A_54 = arith.constant 64 : i32
      %select_n3A_55 = arith.select %ge3A_37, %jit3A_54, %sub3A_53 : i32
      %sub3A_56 = arith.constant 8192 : i32
      %sub3A_57 = arith.subi %sub3A_56, %scan3A_35#0 : i32
      %select_n3A_58 = arith.select %ge3A_37, %scan3A_35#0, %sub3A_57 : i32
      %jit3A_59 = arith.constant 0 : i32
      %jit3A_60 = arith.constant 8192 : i32
      %select_n3A_61 = arith.select %ge3A_37, %jit3A_59, %jit3A_60 : i32
      %jit3A_62 = arith.constant 8192 : i32
      %jit3A_63 = arith.constant 0 : i32
      %select_n3A_64 = arith.select %ge3A_37, %jit3A_62, %jit3A_63 : i32
      %while3A_65 = arith.constant 16384 : i32
      %while3A_66 = arith.constant 0 : i32
      %while3A_67:7 = scf.while (%while3A_383 = %select_n3A_61, %while3A_384 = %while3A_65, %while3A_385 = %select_n3A_64, %while3A_386 = %select_n3A_58, %while3A_387 = %select_n3A_55, %while3A_388 = %while3A_52, %while3A_389 = %while3A_66) : (i32, i32, i32, i32, i32, i32, i32) -> (i32, i32, i32, i32, i32, i32, i32) {
        %gt3A = arith.constant 64 : i32
        %gt3A_390 = arith.cmpi sgt, %while3A_386, %gt3A : i32
        %lt3A_391 = arith.constant 31 : i32
        %lt3A_392 = arith.cmpi slt, %while3A_389, %lt3A_391 : i32
        %and3A_393 = arith.andi %gt3A_390, %lt3A_392 : i1
        scf.condition(%and3A_393) %while3A_383, %while3A_384, %while3A_385, %while3A_386, %while3A_387, %while3A_388, %while3A_389 : i32, i32, i32, i32, i32, i32, i32
      } do {
      ^bb0(%while3A_383: i32, %while3A_384: i32, %while3A_385: i32, %while3A_386: i32, %while3A_387: i32, %while3A_388: i32, %while3A_389: i32):
        %sub3A_390 = arith.constant 30 : i32
        %sub3A_391 = arith.subi %sub3A_390, %while3A_389 : i32
        %shift_left3A = arith.constant 1 : i32
        %shift_left3A_392 = arith.shli %shift_left3A, %sub3A_391 : i32
        %add3A_393 = arith.constant 63 : i32
        %add3A_394 = arith.addi %while3A_386, %add3A_393 : i32
        %shift_right_arithmetic3A_395 = arith.constant 6 : i32
        %shift_right_arithmetic3A_396 = arith.shrsi %add3A_394, %shift_right_arithmetic3A_395 : i32
        %while3A_397 = arith.constant 0 : i32
        %while3A_398 = arith.subi %shift_right_arithmetic3A_396, %while3A_397 : i32
        %while3A_399 = arith.addi %while3A_397, %while3A_398 : i32
        %while3A_400 = arith.constant 1 : i32
        %while3A_401 = arith.divsi %while3A_398, %while3A_400 : i32
        %while3A_402 = arith.muli %while3A_401, %while3A_400 : i32
        %while3A_403 = arith.addi %while3A_397, %while3A_402 : i32
        %while3A_404 = arith.constant 1 : i32
        %while3A_405:2 = scf.for %while3A_435 = %while3A_397 to %while3A_403 step %while3A_404 iter_args(%while3A_436 = %while3A_384, %while3A_437 = %while3A_385) -> (i32, i32)  : i32 {
          %mul3A_438 = arith.constant 64 : i32
          %mul3A_439 = arith.muli %while3A_435, %mul3A_438 : i32
          %add3A_440 = arith.constant 0 : i32
          %add3A_441 = arith.addi %mul3A_439, %add3A_440 : i32
          %add3A_442 = arith.addi %while3A_383, %add3A_441 : i32
          %get3A_443 = arith.index_cast %add3A_442 : i32 to index
          %get3A_444 = tpu.vector_load %arg5[%get3A_443] {strides = array<i32>} : memref<24640xi32, #tpu.memory_space<vmem>>, vector<16xi32>,
          %sub3A_445 = arith.subi %while3A_386, %add3A_441 : i32
          %lt3A_446 = vector.broadcast %sub3A_445 : i32 to vector<16xi32>
          %lt3A_447 = arith.cmpi slt, %iota3A, %lt3A_446 : vector<16xi32>
          %and3A_448 = vector.broadcast %shift_left3A_392 : i32 to vector<16xi32>
          %and3A_449 = arith.andi %get3A_444, %and3A_448 : vector<16xi32>
          %ne3A = arith.constant 0 : i32
          %ne3A_450 = vector.broadcast %ne3A : i32 to vector<16xi32>
          %ne3A_451 = arith.cmpi ne, %and3A_449, %ne3A_450 : vector<16xi32>
          %and3A_452 = arith.andi %ne3A_451, %lt3A_447 : vector<16xi1>
          %not3A_453 = arith.constant dense<true> : vector<16xi1>
          %not3A_454 = arith.xori %ne3A_451, %not3A_453 : vector<16xi1>
          %and3A_455 = arith.andi %not3A_454, %lt3A_447 : vector<16xi1>
          %swap3A_456 = arith.index_cast %while3A_436 : i32 to index
          %swap3A_457 = tpu.vector_load %arg5[%swap3A_456] masked %and3A_452 {strides = array<i32>} : memref<24640xi32, #tpu.memory_space<vmem>>, vector<16xi32>, vector<16xi1>
          tpu.vector_store %arg5[%swap3A_456], %get3A_444 masked %and3A_452 {strides = array<i32>} : memref<24640xi32, #tpu.memory_space<vmem>>, vector<16xi32>, vector<16xi1>
          %swap3A_458 = arith.index_cast %while3A_437 : i32 to index
          %swap3A_459 = tpu.vector_load %arg5[%swap3A_458] masked %and3A_455 {strides = array<i32>} : memref<24640xi32, #tpu.memory_space<vmem>>, vector<16xi32>, vector<16xi1>
          tpu.vector_store %arg5[%swap3A_458], %get3A_444 masked %and3A_455 {strides = array<i32>} : memref<24640xi32, #tpu.memory_space<vmem>>, vector<16xi32>, vector<16xi1>
          %all_reduce_population_count3A = tpu.all_reduce %and3A_452 {dim = 0 : i64, kind = #tpu.reduction_kind<sum>} : vector<16xi1> -> vector<16xi32>
          %slice3A = vector.extract_strided_slice %all_reduce_population_count3A {offsets = [0], sizes = [1], strides = [1]} : vector<16xi32> to vector<1xi32>
          %squeeze3A = vector.extract %slice3A[0] : i32 from vector<1xi32>
          %jit3A_460 = arith.constant 0 : i32
          %jit3A_461 = arith.constant 16 : i32
          %max3A_462 = arith.maxsi %jit3A_460, %sub3A_445 : i32
          %min3A_463 = arith.minsi %jit3A_461, %max3A_462 : i32
          %add3A_464 = arith.addi %while3A_436, %squeeze3A : i32
          %sub3A_465 = arith.subi %min3A_463, %squeeze3A : i32
          %add3A_466 = arith.addi %while3A_437, %sub3A_465 : i32
          %mul3A_467 = arith.constant 64 : i32
          %mul3A_468 = arith.muli %while3A_435, %mul3A_467 : i32
          %add3A_469 = arith.constant 16 : i32
          %add3A_470 = arith.addi %mul3A_468, %add3A_469 : i32
          %add3A_471 = arith.addi %while3A_383, %add3A_470 : i32
          %get3A_472 = arith.index_cast %add3A_471 : i32 to index
          %get3A_473 = tpu.vector_load %arg5[%get3A_472] {strides = array<i32>} : memref<24640xi32, #tpu.memory_space<vmem>>, vector<16xi32>,
          %sub3A_474 = arith.subi %while3A_386, %add3A_470 : i32
          %lt3A_475 = vector.broadcast %sub3A_474 : i32 to vector<16xi32>
          %lt3A_476 = arith.cmpi slt, %iota3A, %lt3A_475 : vector<16xi32>
          %and3A_477 = vector.broadcast %shift_left3A_392 : i32 to vector<16xi32>
          %and3A_478 = arith.andi %get3A_473, %and3A_477 : vector<16xi32>
          %ne3A_479 = arith.constant 0 : i32
          %ne3A_480 = vector.broadcast %ne3A_479 : i32 to vector<16xi32>
          %ne3A_481 = arith.cmpi ne, %and3A_478, %ne3A_480 : vector<16xi32>
          %and3A_482 = arith.andi %ne3A_481, %lt3A_476 : vector<16xi1>
          %not3A_483 = arith.constant dense<true> : vector<16xi1>
          %not3A_484 = arith.xori %ne3A_481, %not3A_483 : vector<16xi1>
          %and3A_485 = arith.andi %not3A_484, %lt3A_476 : vector<16xi1>
          %swap3A_486 = arith.index_cast %add3A_464 : i32 to index
          %swap3A_487 = tpu.vector_load %arg5[%swap3A_486] masked %and3A_482 {strides = array<i32>} : memref<24640xi32, #tpu.memory_space<vmem>>, vector<16xi32>, vector<16xi1>
          tpu.vector_store %arg5[%swap3A_486], %get3A_473 masked %and3A_482 {strides = array<i32>} : memref<24640xi32, #tpu.memory_space<vmem>>, vector<16xi32>, vector<16xi1>
          %swap3A_488 = arith.index_cast %add3A_466 : i32 to index
          %swap3A_489 = tpu.vector_load %arg5[%swap3A_488] masked %and3A_485 {strides = array<i32>} : memref<24640xi32, #tpu.memory_space<vmem>>, vector<16xi32>, vector<16xi1>
          tpu.vector_store %arg5[%swap3A_488], %get3A_473 masked %and3A_485 {strides = array<i32>} : memref<24640xi32, #tpu.memory_space<vmem>>, vector<16xi32>, vector<16xi1>
          %all_reduce_population_count3A_490 = tpu.all_reduce %and3A_482 {dim = 0 : i64, kind = #tpu.reduction_kind<sum>} : vector<16xi1> -> vector<16xi32>
          %slice3A_491 = vector.extract_strided_slice %all_reduce_population_count3A_490 {offsets = [0], sizes = [1], strides = [1]} : vector<16xi32> to vector<1xi32>
          %squeeze3A_492 = vector.extract %slice3A_491[0] : i32 from vector<1xi32>
          %jit3A_493 = arith.constant 0 : i32
          %jit3A_494 = arith.constant 16 : i32
          %max3A_495 = arith.maxsi %jit3A_493, %sub3A_474 : i32
          %min3A_496 = arith.minsi %jit3A_494, %max3A_495 : i32
          %add3A_497 = arith.addi %add3A_464, %squeeze3A_492 : i32
          %sub3A_498 = arith.subi %min3A_496, %squeeze3A_492 : i32
          %add3A_499 = arith.addi %add3A_466, %sub3A_498 : i32
          %mul3A_500 = arith.constant 64 : i32
          %mul3A_501 = arith.muli %while3A_435, %mul3A_500 : i32
          %add3A_502 = arith.constant 32 : i32
          %add3A_503 = arith.addi %mul3A_501, %add3A_502 : i32
          %add3A_504 = arith.addi %while3A_383, %add3A_503 : i32
          %get3A_505 = arith.index_cast %add3A_504 : i32 to index
          %get3A_506 = tpu.vector_load %arg5[%get3A_505] {strides = array<i32>} : memref<24640xi32, #tpu.memory_space<vmem>>, vector<16xi32>,
          %sub3A_507 = arith.subi %while3A_386, %add3A_503 : i32
          %lt3A_508 = vector.broadcast %sub3A_507 : i32 to vector<16xi32>
          %lt3A_509 = arith.cmpi slt, %iota3A, %lt3A_508 : vector<16xi32>
          %and3A_510 = vector.broadcast %shift_left3A_392 : i32 to vector<16xi32>
          %and3A_511 = arith.andi %get3A_506, %and3A_510 : vector<16xi32>
          %ne3A_512 = arith.constant 0 : i32
          %ne3A_513 = vector.broadcast %ne3A_512 : i32 to vector<16xi32>
          %ne3A_514 = arith.cmpi ne, %and3A_511, %ne3A_513 : vector<16xi32>
          %and3A_515 = arith.andi %ne3A_514, %lt3A_509 : vector<16xi1>
          %not3A_516 = arith.constant dense<true> : vector<16xi1>
          %not3A_517 = arith.xori %ne3A_514, %not3A_516 : vector<16xi1>
          %and3A_518 = arith.andi %not3A_517, %lt3A_509 : vector<16xi1>
          %swap3A_519 = arith.index_cast %add3A_497 : i32 to index
          %swap3A_520 = tpu.vector_load %arg5[%swap3A_519] masked %and3A_515 {strides = array<i32>} : memref<24640xi32, #tpu.memory_space<vmem>>, vector<16xi32>, vector<16xi1>
          tpu.vector_store %arg5[%swap3A_519], %get3A_506 masked %and3A_515 {strides = array<i32>} : memref<24640xi32, #tpu.memory_space<vmem>>, vector<16xi32>, vector<16xi1>
          %swap3A_521 = arith.index_cast %add3A_499 : i32 to index
          %swap3A_522 = tpu.vector_load %arg5[%swap3A_521] masked %and3A_518 {strides = array<i32>} : memref<24640xi32, #tpu.memory_space<vmem>>, vector<16xi32>, vector<16xi1>
          tpu.vector_store %arg5[%swap3A_521], %get3A_506 masked %and3A_518 {strides = array<i32>} : memref<24640xi32, #tpu.memory_space<vmem>>, vector<16xi32>, vector<16xi1>
          %all_reduce_population_count3A_523 = tpu.all_reduce %and3A_515 {dim = 0 : i64, kind = #tpu.reduction_kind<sum>} : vector<16xi1> -> vector<16xi32>
          %slice3A_524 = vector.extract_strided_slice %all_reduce_population_count3A_523 {offsets = [0], sizes = [1], strides = [1]} : vector<16xi32> to vector<1xi32>
          %squeeze3A_525 = vector.extract %slice3A_524[0] : i32 from vector<1xi32>
          %jit3A_526 = arith.constant 0 : i32
          %jit3A_527 = arith.constant 16 : i32
          %max3A_528 = arith.maxsi %jit3A_526, %sub3A_507 : i32
          %min3A_529 = arith.minsi %jit3A_527, %max3A_528 : i32
          %add3A_530 = arith.addi %add3A_497, %squeeze3A_525 : i32
          %sub3A_531 = arith.subi %min3A_529, %squeeze3A_525 : i32
          %add3A_532 = arith.addi %add3A_499, %sub3A_531 : i32
          %mul3A_533 = arith.constant 64 : i32
          %mul3A_534 = arith.muli %while3A_435, %mul3A_533 : i32
          %add3A_535 = arith.constant 48 : i32
          %add3A_536 = arith.addi %mul3A_534, %add3A_535 : i32
          %add3A_537 = arith.addi %while3A_383, %add3A_536 : i32
          %get3A_538 = arith.index_cast %add3A_537 : i32 to index
          %get3A_539 = tpu.vector_load %arg5[%get3A_538] {strides = array<i32>} : memref<24640xi32, #tpu.memory_space<vmem>>, vector<16xi32>,
          %sub3A_540 = arith.subi %while3A_386, %add3A_536 : i32
          %lt3A_541 = vector.broadcast %sub3A_540 : i32 to vector<16xi32>
          %lt3A_542 = arith.cmpi slt, %iota3A, %lt3A_541 : vector<16xi32>
          %and3A_543 = vector.broadcast %shift_left3A_392 : i32 to vector<16xi32>
          %and3A_544 = arith.andi %get3A_539, %and3A_543 : vector<16xi32>
          %ne3A_545 = arith.constant 0 : i32
          %ne3A_546 = vector.broadcast %ne3A_545 : i32 to vector<16xi32>
          %ne3A_547 = arith.cmpi ne, %and3A_544, %ne3A_546 : vector<16xi32>
          %and3A_548 = arith.andi %ne3A_547, %lt3A_542 : vector<16xi1>
          %not3A_549 = arith.constant dense<true> : vector<16xi1>
          %not3A_550 = arith.xori %ne3A_547, %not3A_549 : vector<16xi1>
          %and3A_551 = arith.andi %not3A_550, %lt3A_542 : vector<16xi1>
          %swap3A_552 = arith.index_cast %add3A_530 : i32 to index
          %swap3A_553 = tpu.vector_load %arg5[%swap3A_552] masked %and3A_548 {strides = array<i32>} : memref<24640xi32, #tpu.memory_space<vmem>>, vector<16xi32>, vector<16xi1>
          tpu.vector_store %arg5[%swap3A_552], %get3A_539 masked %and3A_548 {strides = array<i32>} : memref<24640xi32, #tpu.memory_space<vmem>>, vector<16xi32>, vector<16xi1>
          %swap3A_554 = arith.index_cast %add3A_532 : i32 to index
          %swap3A_555 = tpu.vector_load %arg5[%swap3A_554] masked %and3A_551 {strides = array<i32>} : memref<24640xi32, #tpu.memory_space<vmem>>, vector<16xi32>, vector<16xi1>
          tpu.vector_store %arg5[%swap3A_554], %get3A_539 masked %and3A_551 {strides = array<i32>} : memref<24640xi32, #tpu.memory_space<vmem>>, vector<16xi32>, vector<16xi1>
          %all_reduce_population_count3A_556 = tpu.all_reduce %and3A_548 {dim = 0 : i64, kind = #tpu.reduction_kind<sum>} : vector<16xi1> -> vector<16xi32>
          %slice3A_557 = vector.extract_strided_slice %all_reduce_population_count3A_556 {offsets = [0], sizes = [1], strides = [1]} : vector<16xi32> to vector<1xi32>
          %squeeze3A_558 = vector.extract %slice3A_557[0] : i32 from vector<1xi32>
          %jit3A_559 = arith.constant 0 : i32
          %jit3A_560 = arith.constant 16 : i32
          %max3A_561 = arith.maxsi %jit3A_559, %sub3A_540 : i32
          %min3A_562 = arith.minsi %jit3A_560, %max3A_561 : i32
          %add3A_563 = arith.addi %add3A_530, %squeeze3A_558 : i32
          %sub3A_564 = arith.subi %min3A_562, %squeeze3A_558 : i32
          %add3A_565 = arith.addi %add3A_532, %sub3A_564 : i32
          scf.yield %add3A_563, %add3A_565 : i32, i32
        }
        %while3A_406 = arith.constant 1 : i32
        %while3A_407:2 = scf.for %while3A_435 = %while3A_403 to %while3A_399 step %while3A_406 iter_args(%while3A_436 = %while3A_405#0, %while3A_437 = %while3A_405#1) -> (i32, i32)  : i32 {
          %mul3A_438 = arith.constant 64 : i32
          %mul3A_439 = arith.muli %while3A_435, %mul3A_438 : i32
          %add3A_440 = arith.constant 0 : i32
          %add3A_441 = arith.addi %mul3A_439, %add3A_440 : i32
          %add3A_442 = arith.addi %while3A_383, %add3A_441 : i32
          %get3A_443 = arith.index_cast %add3A_442 : i32 to index
          %get3A_444 = tpu.vector_load %arg5[%get3A_443] {strides = array<i32>} : memref<24640xi32, #tpu.memory_space<vmem>>, vector<16xi32>,
          %sub3A_445 = arith.subi %while3A_386, %add3A_441 : i32
          %lt3A_446 = vector.broadcast %sub3A_445 : i32 to vector<16xi32>
          %lt3A_447 = arith.cmpi slt, %iota3A, %lt3A_446 : vector<16xi32>
          %and3A_448 = vector.broadcast %shift_left3A_392 : i32 to vector<16xi32>
          %and3A_449 = arith.andi %get3A_444, %and3A_448 : vector<16xi32>
          %ne3A = arith.constant 0 : i32
          %ne3A_450 = vector.broadcast %ne3A : i32 to vector<16xi32>
          %ne3A_451 = arith.cmpi ne, %and3A_449, %ne3A_450 : vector<16xi32>
          %and3A_452 = arith.andi %ne3A_451, %lt3A_447 : vector<16xi1>
          %not3A_453 = arith.constant dense<true> : vector<16xi1>
          %not3A_454 = arith.xori %ne3A_451, %not3A_453 : vector<16xi1>
          %and3A_455 = arith.andi %not3A_454, %lt3A_447 : vector<16xi1>
          %swap3A_456 = arith.index_cast %while3A_436 : i32 to index
          %swap3A_457 = tpu.vector_load %arg5[%swap3A_456] masked %and3A_452 {strides = array<i32>} : memref<24640xi32, #tpu.memory_space<vmem>>, vector<16xi32>, vector<16xi1>
          tpu.vector_store %arg5[%swap3A_456], %get3A_444 masked %and3A_452 {strides = array<i32>} : memref<24640xi32, #tpu.memory_space<vmem>>, vector<16xi32>, vector<16xi1>
          %swap3A_458 = arith.index_cast %while3A_437 : i32 to index
          %swap3A_459 = tpu.vector_load %arg5[%swap3A_458] masked %and3A_455 {strides = array<i32>} : memref<24640xi32, #tpu.memory_space<vmem>>, vector<16xi32>, vector<16xi1>
          tpu.vector_store %arg5[%swap3A_458], %get3A_444 masked %and3A_455 {strides = array<i32>} : memref<24640xi32, #tpu.memory_space<vmem>>, vector<16xi32>, vector<16xi1>
          %all_reduce_population_count3A = tpu.all_reduce %and3A_452 {dim = 0 : i64, kind = #tpu.reduction_kind<sum>} : vector<16xi1> -> vector<16xi32>
          %slice3A = vector.extract_strided_slice %all_reduce_population_count3A {offsets = [0], sizes = [1], strides = [1]} : vector<16xi32> to vector<1xi32>
          %squeeze3A = vector.extract %slice3A[0] : i32 from vector<1xi32>
          %jit3A_460 = arith.constant 0 : i32
          %jit3A_461 = arith.constant 16 : i32
          %max3A_462 = arith.maxsi %jit3A_460, %sub3A_445 : i32
          %min3A_463 = arith.minsi %jit3A_461, %max3A_462 : i32
          %add3A_464 = arith.addi %while3A_436, %squeeze3A : i32
          %sub3A_465 = arith.subi %min3A_463, %squeeze3A : i32
          %add3A_466 = arith.addi %while3A_437, %sub3A_465 : i32
          %mul3A_467 = arith.constant 64 : i32
          %mul3A_468 = arith.muli %while3A_435, %mul3A_467 : i32
          %add3A_469 = arith.constant 16 : i32
          %add3A_470 = arith.addi %mul3A_468, %add3A_469 : i32
          %add3A_471 = arith.addi %while3A_383, %add3A_470 : i32
          %get3A_472 = arith.index_cast %add3A_471 : i32 to index
          %get3A_473 = tpu.vector_load %arg5[%get3A_472] {strides = array<i32>} : memref<24640xi32, #tpu.memory_space<vmem>>, vector<16xi32>,
          %sub3A_474 = arith.subi %while3A_386, %add3A_470 : i32
          %lt3A_475 = vector.broadcast %sub3A_474 : i32 to vector<16xi32>
          %lt3A_476 = arith.cmpi slt, %iota3A, %lt3A_475 : vector<16xi32>
          %and3A_477 = vector.broadcast %shift_left3A_392 : i32 to vector<16xi32>
          %and3A_478 = arith.andi %get3A_473, %and3A_477 : vector<16xi32>
          %ne3A_479 = arith.constant 0 : i32
          %ne3A_480 = vector.broadcast %ne3A_479 : i32 to vector<16xi32>
          %ne3A_481 = arith.cmpi ne, %and3A_478, %ne3A_480 : vector<16xi32>
          %and3A_482 = arith.andi %ne3A_481, %lt3A_476 : vector<16xi1>
          %not3A_483 = arith.constant dense<true> : vector<16xi1>
          %not3A_484 = arith.xori %ne3A_481, %not3A_483 : vector<16xi1>
          %and3A_485 = arith.andi %not3A_484, %lt3A_476 : vector<16xi1>
          %swap3A_486 = arith.index_cast %add3A_464 : i32 to index
          %swap3A_487 = tpu.vector_load %arg5[%swap3A_486] masked %and3A_482 {strides = array<i32>} : memref<24640xi32, #tpu.memory_space<vmem>>, vector<16xi32>, vector<16xi1>
          tpu.vector_store %arg5[%swap3A_486], %get3A_473 masked %and3A_482 {strides = array<i32>} : memref<24640xi32, #tpu.memory_space<vmem>>, vector<16xi32>, vector<16xi1>
          %swap3A_488 = arith.index_cast %add3A_466 : i32 to index
          %swap3A_489 = tpu.vector_load %arg5[%swap3A_488] masked %and3A_485 {strides = array<i32>} : memref<24640xi32, #tpu.memory_space<vmem>>, vector<16xi32>, vector<16xi1>
          tpu.vector_store %arg5[%swap3A_488], %get3A_473 masked %and3A_485 {strides = array<i32>} : memref<24640xi32, #tpu.memory_space<vmem>>, vector<16xi32>, vector<16xi1>
          %all_reduce_population_count3A_490 = tpu.all_reduce %and3A_482 {dim = 0 : i64, kind = #tpu.reduction_kind<sum>} : vector<16xi1> -> vector<16xi32>
          %slice3A_491 = vector.extract_strided_slice %all_reduce_population_count3A_490 {offsets = [0], sizes = [1], strides = [1]} : vector<16xi32> to vector<1xi32>
          %squeeze3A_492 = vector.extract %slice3A_491[0] : i32 from vector<1xi32>
          %jit3A_493 = arith.constant 0 : i32
          %jit3A_494 = arith.constant 16 : i32
          %max3A_495 = arith.maxsi %jit3A_493, %sub3A_474 : i32
          %min3A_496 = arith.minsi %jit3A_494, %max3A_495 : i32
          %add3A_497 = arith.addi %add3A_464, %squeeze3A_492 : i32
          %sub3A_498 = arith.subi %min3A_496, %squeeze3A_492 : i32
          %add3A_499 = arith.addi %add3A_466, %sub3A_498 : i32
          %mul3A_500 = arith.constant 64 : i32
          %mul3A_501 = arith.muli %while3A_435, %mul3A_500 : i32
          %add3A_502 = arith.constant 32 : i32
          %add3A_503 = arith.addi %mul3A_501, %add3A_502 : i32
          %add3A_504 = arith.addi %while3A_383, %add3A_503 : i32
          %get3A_505 = arith.index_cast %add3A_504 : i32 to index
          %get3A_506 = tpu.vector_load %arg5[%get3A_505] {strides = array<i32>} : memref<24640xi32, #tpu.memory_space<vmem>>, vector<16xi32>,
          %sub3A_507 = arith.subi %while3A_386, %add3A_503 : i32
          %lt3A_508 = vector.broadcast %sub3A_507 : i32 to vector<16xi32>
          %lt3A_509 = arith.cmpi slt, %iota3A, %lt3A_508 : vector<16xi32>
          %and3A_510 = vector.broadcast %shift_left3A_392 : i32 to vector<16xi32>
          %and3A_511 = arith.andi %get3A_506, %and3A_510 : vector<16xi32>
          %ne3A_512 = arith.constant 0 : i32
          %ne3A_513 = vector.broadcast %ne3A_512 : i32 to vector<16xi32>
          %ne3A_514 = arith.cmpi ne, %and3A_511, %ne3A_513 : vector<16xi32>
          %and3A_515 = arith.andi %ne3A_514, %lt3A_509 : vector<16xi1>
          %not3A_516 = arith.constant dense<true> : vector<16xi1>
          %not3A_517 = arith.xori %ne3A_514, %not3A_516 : vector<16xi1>
          %and3A_518 = arith.andi %not3A_517, %lt3A_509 : vector<16xi1>
          %swap3A_519 = arith.index_cast %add3A_497 : i32 to index
          %swap3A_520 = tpu.vector_load %arg5[%swap3A_519] masked %and3A_515 {strides = array<i32>} : memref<24640xi32, #tpu.memory_space<vmem>>, vector<16xi32>, vector<16xi1>
          tpu.vector_store %arg5[%swap3A_519], %get3A_506 masked %and3A_515 {strides = array<i32>} : memref<24640xi32, #tpu.memory_space<vmem>>, vector<16xi32>, vector<16xi1>
          %swap3A_521 = arith.index_cast %add3A_499 : i32 to index
          %swap3A_522 = tpu.vector_load %arg5[%swap3A_521] masked %and3A_518 {strides = array<i32>} : memref<24640xi32, #tpu.memory_space<vmem>>, vector<16xi32>, vector<16xi1>
          tpu.vector_store %arg5[%swap3A_521], %get3A_506 masked %and3A_518 {strides = array<i32>} : memref<24640xi32, #tpu.memory_space<vmem>>, vector<16xi32>, vector<16xi1>
          %all_reduce_population_count3A_523 = tpu.all_reduce %and3A_515 {dim = 0 : i64, kind = #tpu.reduction_kind<sum>} : vector<16xi1> -> vector<16xi32>
          %slice3A_524 = vector.extract_strided_slice %all_reduce_population_count3A_523 {offsets = [0], sizes = [1], strides = [1]} : vector<16xi32> to vector<1xi32>
          %squeeze3A_525 = vector.extract %slice3A_524[0] : i32 from vector<1xi32>
          %jit3A_526 = arith.constant 0 : i32
          %jit3A_527 = arith.constant 16 : i32
          %max3A_528 = arith.maxsi %jit3A_526, %sub3A_507 : i32
          %min3A_529 = arith.minsi %jit3A_527, %max3A_528 : i32
          %add3A_530 = arith.addi %add3A_497, %squeeze3A_525 : i32
          %sub3A_531 = arith.subi %min3A_529, %squeeze3A_525 : i32
          %add3A_532 = arith.addi %add3A_499, %sub3A_531 : i32
          %mul3A_533 = arith.constant 64 : i32
          %mul3A_534 = arith.muli %while3A_435, %mul3A_533 : i32
          %add3A_535 = arith.constant 48 : i32
          %add3A_536 = arith.addi %mul3A_534, %add3A_535 : i32
          %add3A_537 = arith.addi %while3A_383, %add3A_536 : i32
          %get3A_538 = arith.index_cast %add3A_537 : i32 to index
          %get3A_539 = tpu.vector_load %arg5[%get3A_538] {strides = array<i32>} : memref<24640xi32, #tpu.memory_space<vmem>>, vector<16xi32>,
          %sub3A_540 = arith.subi %while3A_386, %add3A_536 : i32
          %lt3A_541 = vector.broadcast %sub3A_540 : i32 to vector<16xi32>
          %lt3A_542 = arith.cmpi slt, %iota3A, %lt3A_541 : vector<16xi32>
          %and3A_543 = vector.broadcast %shift_left3A_392 : i32 to vector<16xi32>
          %and3A_544 = arith.andi %get3A_539, %and3A_543 : vector<16xi32>
          %ne3A_545 = arith.constant 0 : i32
          %ne3A_546 = vector.broadcast %ne3A_545 : i32 to vector<16xi32>
          %ne3A_547 = arith.cmpi ne, %and3A_544, %ne3A_546 : vector<16xi32>
          %and3A_548 = arith.andi %ne3A_547, %lt3A_542 : vector<16xi1>
          %not3A_549 = arith.constant dense<true> : vector<16xi1>
          %not3A_550 = arith.xori %ne3A_547, %not3A_549 : vector<16xi1>
          %and3A_551 = arith.andi %not3A_550, %lt3A_542 : vector<16xi1>
          %swap3A_552 = arith.index_cast %add3A_530 : i32 to index
          %swap3A_553 = tpu.vector_load %arg5[%swap3A_552] masked %and3A_548 {strides = array<i32>} : memref<24640xi32, #tpu.memory_space<vmem>>, vector<16xi32>, vector<16xi1>
          tpu.vector_store %arg5[%swap3A_552], %get3A_539 masked %and3A_548 {strides = array<i32>} : memref<24640xi32, #tpu.memory_space<vmem>>, vector<16xi32>, vector<16xi1>
          %swap3A_554 = arith.index_cast %add3A_532 : i32 to index
          %swap3A_555 = tpu.vector_load %arg5[%swap3A_554] masked %and3A_551 {strides = array<i32>} : memref<24640xi32, #tpu.memory_space<vmem>>, vector<16xi32>, vector<16xi1>
          tpu.vector_store %arg5[%swap3A_554], %get3A_539 masked %and3A_551 {strides = array<i32>} : memref<24640xi32, #tpu.memory_space<vmem>>, vector<16xi32>, vector<16xi1>
          %all_reduce_population_count3A_556 = tpu.all_reduce %and3A_548 {dim = 0 : i64, kind = #tpu.reduction_kind<sum>} : vector<16xi1> -> vector<16xi32>
          %slice3A_557 = vector.extract_strided_slice %all_reduce_population_count3A_556 {offsets = [0], sizes = [1], strides = [1]} : vector<16xi32> to vector<1xi32>
          %squeeze3A_558 = vector.extract %slice3A_557[0] : i32 from vector<1xi32>
          %jit3A_559 = arith.constant 0 : i32
          %jit3A_560 = arith.constant 16 : i32
          %max3A_561 = arith.maxsi %jit3A_559, %sub3A_540 : i32
          %min3A_562 = arith.minsi %jit3A_560, %max3A_561 : i32
          %add3A_563 = arith.addi %add3A_530, %squeeze3A_558 : i32
          %sub3A_564 = arith.subi %min3A_562, %squeeze3A_558 : i32
          %add3A_565 = arith.addi %add3A_532, %sub3A_564 : i32
          scf.yield %add3A_563, %add3A_565 : i32, i32
        }
        %sub3A_408 = arith.subi %while3A_407#0, %while3A_384 : i32
        %ge3A_409 = arith.cmpi sge, %sub3A_408, %while3A_387 : i32
        %jit3A_410 = arith.constant 0 : i32
        %select_n3A_411 = arith.select %ge3A_409, %jit3A_410, %sub3A_408 : i32
        %add3A_412 = arith.constant 15 : i32
        %add3A_413 = arith.addi %select_n3A_411, %add3A_412 : i32
        %shift_right_arithmetic3A_414 = arith.constant 4 : i32
        %shift_right_arithmetic3A_415 = arith.shrsi %add3A_413, %shift_right_arithmetic3A_414 : i32
        %while3A_416 = arith.constant 0 : i32
        %while3A_417 = arith.subi %shift_right_arithmetic3A_415, %while3A_416 : i32
        %while3A_418 = arith.addi %while3A_416, %while3A_417 : i32
        %while3A_419 = arith.constant 1 : i32
        %while3A_420 = arith.divsi %while3A_417, %while3A_419 : i32
        %while3A_421 = arith.muli %while3A_420, %while3A_419 : i32
        %while3A_422 = arith.addi %while3A_416, %while3A_421 : i32
        %while3A_423 = arith.constant 1 : i32
        %while3A_424 = scf.for %while3A_435 = %while3A_416 to %while3A_422 step %while3A_423 iter_args(%while3A_436 = %while3A_388) -> (i32)  : i32 {
          %mul3A_437 = arith.constant 16 : i32
          %mul3A_438 = arith.muli %while3A_435, %mul3A_437 : i32
          %add3A_439 = arith.addi %while3A_384, %mul3A_438 : i32
          %get3A_440 = arith.index_cast %add3A_439 : i32 to index
          %get3A_441 = tpu.vector_load %arg5[%get3A_440] {strides = array<i32>} : memref<24640xi32, #tpu.memory_space<vmem>>, vector<16xi32>,
          %mul3A_442 = arith.constant 16 : i32
          %mul3A_443 = arith.muli %while3A_435, %mul3A_442 : i32
          %add3A_444 = vector.broadcast %mul3A_443 : i32 to vector<16xi32>
          %add3A_445 = arith.addi %iota3A, %add3A_444 : vector<16xi32>
          %lt3A_446 = vector.broadcast %select_n3A_411 : i32 to vector<16xi32>
          %lt3A_447 = arith.cmpi slt, %add3A_445, %lt3A_446 : vector<16xi32>
          %lt3A_448 = arith.constant 0 : i32
          %lt3A_449 = vector.broadcast %lt3A_448 : i32 to vector<16xi32>
          %lt3A_450 = arith.cmpi slt, %get3A_441, %lt3A_449 : vector<16xi32>
          %and3A_451 = arith.constant 2147483647 : i32
          %and3A_452 = vector.broadcast %and3A_451 : i32 to vector<16xi32>
          %and3A_453 = arith.andi %get3A_441, %and3A_452 : vector<16xi32>
          %not3A_454 = arith.constant dense<-1> : vector<16xi32>
          %not3A_455 = arith.xori %get3A_441, %not3A_454 : vector<16xi32>
          %select_n3A_456 = arith.select %lt3A_450, %and3A_453, %not3A_455 : vector<16xi1>, vector<16xi32>
          %bitcast_convert_type3A_457 = tpu.bitcast %select_n3A_456 : vector<16xi32> -> vector<16xf32>
          %swap3A_458 = arith.index_cast %while3A_436 : i32 to index
          %swap3A_459 = tpu.vector_load %arg6[%swap3A_458] masked %lt3A_447 {strides = array<i32>} : memref<208xf32, #tpu.memory_space<vmem>>, vector<16xf32>, vector<16xi1>
          tpu.vector_store %arg6[%swap3A_458], %bitcast_convert_type3A_457 masked %lt3A_447 {strides = array<i32>} : memref<208xf32, #tpu.memory_space<vmem>>, vector<16xf32>, vector<16xi1>
          %mul3A_460 = arith.constant 16 : i32
          %mul3A_461 = arith.muli %while3A_435, %mul3A_460 : i32
          %sub3A_462 = arith.subi %select_n3A_411, %mul3A_461 : i32
          %min3A_463 = arith.constant 16 : i32
          %min3A_464 = arith.minsi %sub3A_462, %min3A_463 : i32
          %add3A_465 = arith.addi %while3A_436, %min3A_464 : i32
          scf.yield %add3A_465 : i32
        }
        %while3A_425 = arith.constant 1 : i32
        %while3A_426 = scf.for %while3A_435 = %while3A_422 to %while3A_418 step %while3A_425 iter_args(%while3A_436 = %while3A_424) -> (i32)  : i32 {
          %mul3A_437 = arith.constant 16 : i32
          %mul3A_438 = arith.muli %while3A_435, %mul3A_437 : i32
          %add3A_439 = arith.addi %while3A_384, %mul3A_438 : i32
          %get3A_440 = arith.index_cast %add3A_439 : i32 to index
          %get3A_441 = tpu.vector_load %arg5[%get3A_440] {strides = array<i32>} : memref<24640xi32, #tpu.memory_space<vmem>>, vector<16xi32>,
          %mul3A_442 = arith.constant 16 : i32
          %mul3A_443 = arith.muli %while3A_435, %mul3A_442 : i32
          %add3A_444 = vector.broadcast %mul3A_443 : i32 to vector<16xi32>
          %add3A_445 = arith.addi %iota3A, %add3A_444 : vector<16xi32>
          %lt3A_446 = vector.broadcast %select_n3A_411 : i32 to vector<16xi32>
          %lt3A_447 = arith.cmpi slt, %add3A_445, %lt3A_446 : vector<16xi32>
          %lt3A_448 = arith.constant 0 : i32
          %lt3A_449 = vector.broadcast %lt3A_448 : i32 to vector<16xi32>
          %lt3A_450 = arith.cmpi slt, %get3A_441, %lt3A_449 : vector<16xi32>
          %and3A_451 = arith.constant 2147483647 : i32
          %and3A_452 = vector.broadcast %and3A_451 : i32 to vector<16xi32>
          %and3A_453 = arith.andi %get3A_441, %and3A_452 : vector<16xi32>
          %not3A_454 = arith.constant dense<-1> : vector<16xi32>
          %not3A_455 = arith.xori %get3A_441, %not3A_454 : vector<16xi32>
          %select_n3A_456 = arith.select %lt3A_450, %and3A_453, %not3A_455 : vector<16xi1>, vector<16xi32>
          %bitcast_convert_type3A_457 = tpu.bitcast %select_n3A_456 : vector<16xi32> -> vector<16xf32>
          %swap3A_458 = arith.index_cast %while3A_436 : i32 to index
          %swap3A_459 = tpu.vector_load %arg6[%swap3A_458] masked %lt3A_447 {strides = array<i32>} : memref<208xf32, #tpu.memory_space<vmem>>, vector<16xf32>, vector<16xi1>
          tpu.vector_store %arg6[%swap3A_458], %bitcast_convert_type3A_457 masked %lt3A_447 {strides = array<i32>} : memref<208xf32, #tpu.memory_space<vmem>>, vector<16xf32>, vector<16xi1>
          %mul3A_460 = arith.constant 16 : i32
          %mul3A_461 = arith.muli %while3A_435, %mul3A_460 : i32
          %sub3A_462 = arith.subi %select_n3A_411, %mul3A_461 : i32
          %min3A_463 = arith.constant 16 : i32
          %min3A_464 = arith.minsi %sub3A_462, %min3A_463 : i32
          %add3A_465 = arith.addi %while3A_436, %min3A_464 : i32
          scf.yield %add3A_465 : i32
        }
        %sub3A_427 = arith.subi %while3A_387, %sub3A_408 : i32
        %select_n3A_428 = arith.select %ge3A_409, %while3A_387, %sub3A_427 : i32
        %sub3A_429 = arith.subi %while3A_386, %sub3A_408 : i32
        %select_n3A_430 = arith.select %ge3A_409, %sub3A_408, %sub3A_429 : i32
        %select_n3A_431 = arith.select %ge3A_409, %while3A_384, %while3A_385 : i32
        %select_n3A_432 = arith.select %ge3A_409, %while3A_385, %while3A_384 : i32
        %add3A_433 = arith.constant 1 : i32
        %add3A_434 = arith.addi %while3A_389, %add3A_433 : i32
        scf.yield %select_n3A_431, %while3A_383, %select_n3A_432, %select_n3A_430, %select_n3A_428, %while3A_426, %add3A_434 : i32, i32, i32, i32, i32, i32, i32
      }
      %add3A_68 = arith.constant 0 : i32
      %add3A_69 = arith.addi %while3A_67#0, %add3A_68 : i32
      %get3A = arith.index_cast %add3A_69 : i32 to index
      %get3A_70 = tpu.vector_load %arg5[%get3A] {strides = array<i32>} : memref<24640xi32, #tpu.memory_space<vmem>>, vector<16xi32>,
      %add3A_71 = arith.constant 0 : i32
      %add3A_72 = vector.broadcast %add3A_71 : i32 to vector<16xi32>
      %add3A_73 = arith.addi %iota3A, %add3A_72 : vector<16xi32>
      %lt3A = vector.broadcast %while3A_67#3 : i32 to vector<16xi32>
      %lt3A_74 = arith.cmpi slt, %add3A_73, %lt3A : vector<16xi32>
      %add3A_75 = arith.constant 0 : i32
      %add3A_76 = arith.addi %while3A_67#5, %add3A_75 : i32
      %lt3A_77 = arith.constant 0 : i32
      %lt3A_78 = vector.broadcast %lt3A_77 : i32 to vector<16xi32>
      %lt3A_79 = arith.cmpi slt, %get3A_70, %lt3A_78 : vector<16xi32>
      %and3A = arith.constant 2147483647 : i32
      %and3A_80 = vector.broadcast %and3A : i32 to vector<16xi32>
      %and3A_81 = arith.andi %get3A_70, %and3A_80 : vector<16xi32>
      %not3A = arith.constant dense<-1> : vector<16xi32>
      %not3A_82 = arith.xori %get3A_70, %not3A : vector<16xi32>
      %select_n3A_83 = arith.select %lt3A_79, %and3A_81, %not3A_82 : vector<16xi1>, vector<16xi32>
      %bitcast_convert_type3A = tpu.bitcast %select_n3A_83 : vector<16xi32> -> vector<16xf32>
      %swap3A_84 = arith.index_cast %add3A_76 : i32 to index
      %swap3A_85 = tpu.vector_load %arg6[%swap3A_84] masked %lt3A_74 {strides = array<i32>} : memref<208xf32, #tpu.memory_space<vmem>>, vector<16xf32>, vector<16xi1>
      tpu.vector_store %arg6[%swap3A_84], %bitcast_convert_type3A masked %lt3A_74 {strides = array<i32>} : memref<208xf32, #tpu.memory_space<vmem>>, vector<16xf32>, vector<16xi1>
      %add3A_86 = arith.constant 16 : i32
      %add3A_87 = arith.addi %while3A_67#0, %add3A_86 : i32
      %get3A_88 = arith.index_cast %add3A_87 : i32 to index
      %get3A_89 = tpu.vector_load %arg5[%get3A_88] {strides = array<i32>} : memref<24640xi32, #tpu.memory_space<vmem>>, vector<16xi32>,
      %add3A_90 = arith.constant 16 : i32
      %add3A_91 = vector.broadcast %add3A_90 : i32 to vector<16xi32>
      %add3A_92 = arith.addi %iota3A, %add3A_91 : vector<16xi32>
      %lt3A_93 = vector.broadcast %while3A_67#3 : i32 to vector<16xi32>
      %lt3A_94 = arith.cmpi slt, %add3A_92, %lt3A_93 : vector<16xi32>
      %add3A_95 = arith.constant 16 : i32
      %add3A_96 = arith.addi %while3A_67#5, %add3A_95 : i32
      %lt3A_97 = arith.constant 0 : i32
      %lt3A_98 = vector.broadcast %lt3A_97 : i32 to vector<16xi32>
      %lt3A_99 = arith.cmpi slt, %get3A_89, %lt3A_98 : vector<16xi32>
      %and3A_100 = arith.constant 2147483647 : i32
      %and3A_101 = vector.broadcast %and3A_100 : i32 to vector<16xi32>
      %and3A_102 = arith.andi %get3A_89, %and3A_101 : vector<16xi32>
      %not3A_103 = arith.constant dense<-1> : vector<16xi32>
      %not3A_104 = arith.xori %get3A_89, %not3A_103 : vector<16xi32>
      %select_n3A_105 = arith.select %lt3A_99, %and3A_102, %not3A_104 : vector<16xi1>, vector<16xi32>
      %bitcast_convert_type3A_106 = tpu.bitcast %select_n3A_105 : vector<16xi32> -> vector<16xf32>
      %swap3A_107 = arith.index_cast %add3A_96 : i32 to index
      %swap3A_108 = tpu.vector_load %arg6[%swap3A_107] masked %lt3A_94 {strides = array<i32>} : memref<208xf32, #tpu.memory_space<vmem>>, vector<16xf32>, vector<16xi1>
      tpu.vector_store %arg6[%swap3A_107], %bitcast_convert_type3A_106 masked %lt3A_94 {strides = array<i32>} : memref<208xf32, #tpu.memory_space<vmem>>, vector<16xf32>, vector<16xi1>
      %add3A_109 = arith.constant 32 : i32
      %add3A_110 = arith.addi %while3A_67#0, %add3A_109 : i32
      %get3A_111 = arith.index_cast %add3A_110 : i32 to index
      %get3A_112 = tpu.vector_load %arg5[%get3A_111] {strides = array<i32>} : memref<24640xi32, #tpu.memory_space<vmem>>, vector<16xi32>,
      %add3A_113 = arith.constant 32 : i32
      %add3A_114 = vector.broadcast %add3A_113 : i32 to vector<16xi32>
      %add3A_115 = arith.addi %iota3A, %add3A_114 : vector<16xi32>
      %lt3A_116 = vector.broadcast %while3A_67#3 : i32 to vector<16xi32>
      %lt3A_117 = arith.cmpi slt, %add3A_115, %lt3A_116 : vector<16xi32>
      %add3A_118 = arith.constant 32 : i32
      %add3A_119 = arith.addi %while3A_67#5, %add3A_118 : i32
      %lt3A_120 = arith.constant 0 : i32
      %lt3A_121 = vector.broadcast %lt3A_120 : i32 to vector<16xi32>
      %lt3A_122 = arith.cmpi slt, %get3A_112, %lt3A_121 : vector<16xi32>
      %and3A_123 = arith.constant 2147483647 : i32
      %and3A_124 = vector.broadcast %and3A_123 : i32 to vector<16xi32>
      %and3A_125 = arith.andi %get3A_112, %and3A_124 : vector<16xi32>
      %not3A_126 = arith.constant dense<-1> : vector<16xi32>
      %not3A_127 = arith.xori %get3A_112, %not3A_126 : vector<16xi32>
      %select_n3A_128 = arith.select %lt3A_122, %and3A_125, %not3A_127 : vector<16xi1>, vector<16xi32>
      %bitcast_convert_type3A_129 = tpu.bitcast %select_n3A_128 : vector<16xi32> -> vector<16xf32>
      %swap3A_130 = arith.index_cast %add3A_119 : i32 to index
      %swap3A_131 = tpu.vector_load %arg6[%swap3A_130] masked %lt3A_117 {strides = array<i32>} : memref<208xf32, #tpu.memory_space<vmem>>, vector<16xf32>, vector<16xi1>
      tpu.vector_store %arg6[%swap3A_130], %bitcast_convert_type3A_129 masked %lt3A_117 {strides = array<i32>} : memref<208xf32, #tpu.memory_space<vmem>>, vector<16xf32>, vector<16xi1>
      %add3A_132 = arith.constant 48 : i32
      %add3A_133 = arith.addi %while3A_67#0, %add3A_132 : i32
      %get3A_134 = arith.index_cast %add3A_133 : i32 to index
      %get3A_135 = tpu.vector_load %arg5[%get3A_134] {strides = array<i32>} : memref<24640xi32, #tpu.memory_space<vmem>>, vector<16xi32>,
      %add3A_136 = arith.constant 48 : i32
      %add3A_137 = vector.broadcast %add3A_136 : i32 to vector<16xi32>
      %add3A_138 = arith.addi %iota3A, %add3A_137 : vector<16xi32>
      %lt3A_139 = vector.broadcast %while3A_67#3 : i32 to vector<16xi32>
      %lt3A_140 = arith.cmpi slt, %add3A_138, %lt3A_139 : vector<16xi32>
      %add3A_141 = arith.constant 48 : i32
      %add3A_142 = arith.addi %while3A_67#5, %add3A_141 : i32
      %lt3A_143 = arith.constant 0 : i32
      %lt3A_144 = vector.broadcast %lt3A_143 : i32 to vector<16xi32>
      %lt3A_145 = arith.cmpi slt, %get3A_135, %lt3A_144 : vector<16xi32>
      %and3A_146 = arith.constant 2147483647 : i32
      %and3A_147 = vector.broadcast %and3A_146 : i32 to vector<16xi32>
      %and3A_148 = arith.andi %get3A_135, %and3A_147 : vector<16xi32>
      %not3A_149 = arith.constant dense<-1> : vector<16xi32>
      %not3A_150 = arith.xori %get3A_135, %not3A_149 : vector<16xi32>
      %select_n3A_151 = arith.select %lt3A_145, %and3A_148, %not3A_150 : vector<16xi1>, vector<16xi32>
      %bitcast_convert_type3A_152 = tpu.bitcast %select_n3A_151 : vector<16xi32> -> vector<16xf32>
      %swap3A_153 = arith.index_cast %add3A_142 : i32 to index
      %swap3A_154 = tpu.vector_load %arg6[%swap3A_153] masked %lt3A_140 {strides = array<i32>} : memref<208xf32, #tpu.memory_space<vmem>>, vector<16xf32>, vector<16xi1>
      tpu.vector_store %arg6[%swap3A_153], %bitcast_convert_type3A_152 masked %lt3A_140 {strides = array<i32>} : memref<208xf32, #tpu.memory_space<vmem>>, vector<16xf32>, vector<16xi1>
      %get3A_155 = arith.constant 0 : index
      %get3A_156 = tpu.vector_load %arg6[%get3A_155] {strides = array<i32>} : memref<208xf32, #tpu.memory_space<vmem>>, vector<16xf32>,
      %get3A_157 = arith.constant 16 : index
      %get3A_158 = tpu.vector_load %arg6[%get3A_157] {strides = array<i32>} : memref<208xf32, #tpu.memory_space<vmem>>, vector<16xf32>,
      %get3A_159 = arith.constant 32 : index
      %get3A_160 = tpu.vector_load %arg6[%get3A_159] {strides = array<i32>} : memref<208xf32, #tpu.memory_space<vmem>>, vector<16xf32>,
      %get3A_161 = arith.constant 48 : index
      %get3A_162 = tpu.vector_load %arg6[%get3A_161] {strides = array<i32>} : memref<208xf32, #tpu.memory_space<vmem>>, vector<16xf32>,
      %masked_sort3A = arith.constant dense<true> : vector<16xi1>
      %masked_sort3A_163, %masked_sort3A_164, %masked_sort3A_165 = tpu.sort %get3A_156, %get3A_156 masked %masked_sort3A {descending = true} : (vector<16xf32>, vector<16xf32>, vector<16xi1>) -> (vector<16xi1>, vector<16xf32>, vector<16xf32>)
      %masked_sort3A_166 = arith.constant dense<true> : vector<16xi1>
      %masked_sort3A_167, %masked_sort3A_168, %masked_sort3A_169 = tpu.sort %get3A_158, %get3A_158 masked %masked_sort3A_166 {descending = true} : (vector<16xf32>, vector<16xf32>, vector<16xi1>) -> (vector<16xi1>, vector<16xf32>, vector<16xf32>)
      %rev3A = arith.constant 15 : i32
      %rev3A_170 = vector.broadcast %rev3A : i32 to vector<16xi32>
      %rev3A_171 = tpu.iota {dimensions = array<i32: 0>} : vector<16xi32>
      %rev3A_172 = arith.subi %rev3A_170, %rev3A_171 : vector<16xi32>
      %rev3A_173 = tpu.dynamic_gather %masked_sort3A_168[%rev3A_172] in [0] : vector<16xf32>, vector<16xi32> -> vector<16xf32>
      %max3A = arith.maximumf %masked_sort3A_164, %rev3A_173 : vector<16xf32>
      %masked_sort3A_174 = arith.constant dense<true> : vector<16xi1>
      %masked_sort3A_175, %masked_sort3A_176, %masked_sort3A_177 = tpu.sort %max3A, %max3A masked %masked_sort3A_174 {descending = true} : (vector<16xf32>, vector<16xf32>, vector<16xi1>) -> (vector<16xi1>, vector<16xf32>, vector<16xf32>)
      %min3A = arith.minimumf %masked_sort3A_164, %rev3A_173 : vector<16xf32>
      %masked_sort3A_178 = arith.constant dense<true> : vector<16xi1>
      %masked_sort3A_179, %masked_sort3A_180, %masked_sort3A_181 = tpu.sort %min3A, %min3A masked %masked_sort3A_178 {descending = true} : (vector<16xf32>, vector<16xf32>, vector<16xi1>) -> (vector<16xi1>, vector<16xf32>, vector<16xf32>)
      %masked_sort3A_182 = arith.constant dense<true> : vector<16xi1>
      %masked_sort3A_183, %masked_sort3A_184, %masked_sort3A_185 = tpu.sort %get3A_160, %get3A_160 masked %masked_sort3A_182 {descending = true} : (vector<16xf32>, vector<16xf32>, vector<16xi1>) -> (vector<16xi1>, vector<16xf32>, vector<16xf32>)
      %masked_sort3A_186 = arith.constant dense<true> : vector<16xi1>
      %masked_sort3A_187, %masked_sort3A_188, %masked_sort3A_189 = tpu.sort %get3A_162, %get3A_162 masked %masked_sort3A_186 {descending = true} : (vector<16xf32>, vector<16xf32>, vector<16xi1>) -> (vector<16xi1>, vector<16xf32>, vector<16xf32>)
      %rev3A_190 = arith.constant 15 : i32
      %rev3A_191 = vector.broadcast %rev3A_190 : i32 to vector<16xi32>
      %rev3A_192 = tpu.iota {dimensions = array<i32: 0>} : vector<16xi32>
      %rev3A_193 = arith.subi %rev3A_191, %rev3A_192 : vector<16xi32>
      %rev3A_194 = tpu.dynamic_gather %masked_sort3A_188[%rev3A_193] in [0] : vector<16xf32>, vector<16xi32> -> vector<16xf32>
      %max3A_195 = arith.maximumf %masked_sort3A_184, %rev3A_194 : vector<16xf32>
      %masked_sort3A_196 = arith.constant dense<true> : vector<16xi1>
      %masked_sort3A_197, %masked_sort3A_198, %masked_sort3A_199 = tpu.sort %max3A_195, %max3A_195 masked %masked_sort3A_196 {descending = true} : (vector<16xf32>, vector<16xf32>, vector<16xi1>) -> (vector<16xi1>, vector<16xf32>, vector<16xf32>)
      %min3A_200 = arith.minimumf %masked_sort3A_184, %rev3A_194 : vector<16xf32>
      %masked_sort3A_201 = arith.constant dense<true> : vector<16xi1>
      %masked_sort3A_202, %masked_sort3A_203, %masked_sort3A_204 = tpu.sort %min3A_200, %min3A_200 masked %masked_sort3A_201 {descending = true} : (vector<16xf32>, vector<16xf32>, vector<16xi1>) -> (vector<16xi1>, vector<16xf32>, vector<16xf32>)
      %rev3A_205 = arith.constant 15 : i32
      %rev3A_206 = vector.broadcast %rev3A_205 : i32 to vector<16xi32>
      %rev3A_207 = tpu.iota {dimensions = array<i32: 0>} : vector<16xi32>
      %rev3A_208 = arith.subi %rev3A_206, %rev3A_207 : vector<16xi32>
      %rev3A_209 = tpu.dynamic_gather %masked_sort3A_203[%rev3A_208] in [0] : vector<16xf32>, vector<16xi32> -> vector<16xf32>
      %rev3A_210 = arith.constant 15 : i32
      %rev3A_211 = vector.broadcast %rev3A_210 : i32 to vector<16xi32>
      %rev3A_212 = tpu.iota {dimensions = array<i32: 0>} : vector<16xi32>
      %rev3A_213 = arith.subi %rev3A_211, %rev3A_212 : vector<16xi32>
      %rev3A_214 = tpu.dynamic_gather %masked_sort3A_198[%rev3A_213] in [0] : vector<16xf32>, vector<16xi32> -> vector<16xf32>
      %max3A_215 = arith.maximumf %masked_sort3A_176, %rev3A_209 : vector<16xf32>
      %max3A_216 = arith.maximumf %masked_sort3A_180, %rev3A_214 : vector<16xf32>
      %min3A_217 = arith.minimumf %masked_sort3A_176, %rev3A_209 : vector<16xf32>
      %min3A_218 = arith.minimumf %masked_sort3A_180, %rev3A_214 : vector<16xf32>
      %max3A_219 = arith.maximumf %max3A_215, %max3A_216 : vector<16xf32>
      %min3A_220 = arith.minimumf %max3A_215, %max3A_216 : vector<16xf32>
      %max3A_221 = arith.maximumf %min3A_217, %min3A_218 : vector<16xf32>
      %min3A_222 = arith.minimumf %min3A_217, %min3A_218 : vector<16xf32>
      %masked_sort3A_223 = arith.constant dense<true> : vector<16xi1>
      %masked_sort3A_224, %masked_sort3A_225, %masked_sort3A_226 = tpu.sort %max3A_219, %max3A_219 masked %masked_sort3A_223 {descending = true} : (vector<16xf32>, vector<16xf32>, vector<16xi1>) -> (vector<16xi1>, vector<16xf32>, vector<16xf32>)
      %masked_sort3A_227 = arith.constant dense<true> : vector<16xi1>
      %masked_sort3A_228, %masked_sort3A_229, %masked_sort3A_230 = tpu.sort %min3A_220, %min3A_220 masked %masked_sort3A_227 {descending = true} : (vector<16xf32>, vector<16xf32>, vector<16xi1>) -> (vector<16xi1>, vector<16xf32>, vector<16xf32>)
      %masked_sort3A_231 = arith.constant dense<true> : vector<16xi1>
      %masked_sort3A_232, %masked_sort3A_233, %masked_sort3A_234 = tpu.sort %max3A_221, %max3A_221 masked %masked_sort3A_231 {descending = true} : (vector<16xf32>, vector<16xf32>, vector<16xi1>) -> (vector<16xi1>, vector<16xf32>, vector<16xf32>)
      %masked_sort3A_235 = arith.constant dense<true> : vector<16xi1>
      %masked_sort3A_236, %masked_sort3A_237, %masked_sort3A_238 = tpu.sort %min3A_222, %min3A_222 masked %masked_sort3A_235 {descending = true} : (vector<16xf32>, vector<16xf32>, vector<16xi1>) -> (vector<16xi1>, vector<16xf32>, vector<16xf32>)
      %get3A_239 = arith.constant 64 : index
      %get3A_240 = tpu.vector_load %arg6[%get3A_239] {strides = array<i32>} : memref<208xf32, #tpu.memory_space<vmem>>, vector<16xf32>,
      %get3A_241 = arith.constant 80 : index
      %get3A_242 = tpu.vector_load %arg6[%get3A_241] {strides = array<i32>} : memref<208xf32, #tpu.memory_space<vmem>>, vector<16xf32>,
      %get3A_243 = arith.constant 96 : index
      %get3A_244 = tpu.vector_load %arg6[%get3A_243] {strides = array<i32>} : memref<208xf32, #tpu.memory_space<vmem>>, vector<16xf32>,
      %get3A_245 = arith.constant 112 : index
      %get3A_246 = tpu.vector_load %arg6[%get3A_245] {strides = array<i32>} : memref<208xf32, #tpu.memory_space<vmem>>, vector<16xf32>,
      %masked_sort3A_247 = arith.constant dense<true> : vector<16xi1>
      %masked_sort3A_248, %masked_sort3A_249, %masked_sort3A_250 = tpu.sort %get3A_240, %get3A_240 masked %masked_sort3A_247 {descending = true} : (vector<16xf32>, vector<16xf32>, vector<16xi1>) -> (vector<16xi1>, vector<16xf32>, vector<16xf32>)
      %masked_sort3A_251 = arith.constant dense<true> : vector<16xi1>
      %masked_sort3A_252, %masked_sort3A_253, %masked_sort3A_254 = tpu.sort %get3A_242, %get3A_242 masked %masked_sort3A_251 {descending = true} : (vector<16xf32>, vector<16xf32>, vector<16xi1>) -> (vector<16xi1>, vector<16xf32>, vector<16xf32>)
      %rev3A_255 = arith.constant 15 : i32
      %rev3A_256 = vector.broadcast %rev3A_255 : i32 to vector<16xi32>
      %rev3A_257 = tpu.iota {dimensions = array<i32: 0>} : vector<16xi32>
      %rev3A_258 = arith.subi %rev3A_256, %rev3A_257 : vector<16xi32>
      %rev3A_259 = tpu.dynamic_gather %masked_sort3A_253[%rev3A_258] in [0] : vector<16xf32>, vector<16xi32> -> vector<16xf32>
      %max3A_260 = arith.maximumf %masked_sort3A_249, %rev3A_259 : vector<16xf32>
      %masked_sort3A_261 = arith.constant dense<true> : vector<16xi1>
      %masked_sort3A_262, %masked_sort3A_263, %masked_sort3A_264 = tpu.sort %max3A_260, %max3A_260 masked %masked_sort3A_261 {descending = true} : (vector<16xf32>, vector<16xf32>, vector<16xi1>) -> (vector<16xi1>, vector<16xf32>, vector<16xf32>)
      %min3A_265 = arith.minimumf %masked_sort3A_249, %rev3A_259 : vector<16xf32>
      %masked_sort3A_266 = arith.constant dense<true> : vector<16xi1>
      %masked_sort3A_267, %masked_sort3A_268, %masked_sort3A_269 = tpu.sort %min3A_265, %min3A_265 masked %masked_sort3A_266 {descending = true} : (vector<16xf32>, vector<16xf32>, vector<16xi1>) -> (vector<16xi1>, vector<16xf32>, vector<16xf32>)
      %masked_sort3A_270 = arith.constant dense<true> : vector<16xi1>
      %masked_sort3A_271, %masked_sort3A_272, %masked_sort3A_273 = tpu.sort %get3A_244, %get3A_244 masked %masked_sort3A_270 {descending = true} : (vector<16xf32>, vector<16xf32>, vector<16xi1>) -> (vector<16xi1>, vector<16xf32>, vector<16xf32>)
      %masked_sort3A_274 = arith.constant dense<true> : vector<16xi1>
      %masked_sort3A_275, %masked_sort3A_276, %masked_sort3A_277 = tpu.sort %get3A_246, %get3A_246 masked %masked_sort3A_274 {descending = true} : (vector<16xf32>, vector<16xf32>, vector<16xi1>) -> (vector<16xi1>, vector<16xf32>, vector<16xf32>)
      %rev3A_278 = arith.constant 15 : i32
      %rev3A_279 = vector.broadcast %rev3A_278 : i32 to vector<16xi32>
      %rev3A_280 = tpu.iota {dimensions = array<i32: 0>} : vector<16xi32>
      %rev3A_281 = arith.subi %rev3A_279, %rev3A_280 : vector<16xi32>
      %rev3A_282 = tpu.dynamic_gather %masked_sort3A_276[%rev3A_281] in [0] : vector<16xf32>, vector<16xi32> -> vector<16xf32>
      %max3A_283 = arith.maximumf %masked_sort3A_272, %rev3A_282 : vector<16xf32>
      %masked_sort3A_284 = arith.constant dense<true> : vector<16xi1>
      %masked_sort3A_285, %masked_sort3A_286, %masked_sort3A_287 = tpu.sort %max3A_283, %max3A_283 masked %masked_sort3A_284 {descending = true} : (vector<16xf32>, vector<16xf32>, vector<16xi1>) -> (vector<16xi1>, vector<16xf32>, vector<16xf32>)
      %min3A_288 = arith.minimumf %masked_sort3A_272, %rev3A_282 : vector<16xf32>
      %masked_sort3A_289 = arith.constant dense<true> : vector<16xi1>
      %masked_sort3A_290, %masked_sort3A_291, %masked_sort3A_292 = tpu.sort %min3A_288, %min3A_288 masked %masked_sort3A_289 {descending = true} : (vector<16xf32>, vector<16xf32>, vector<16xi1>) -> (vector<16xi1>, vector<16xf32>, vector<16xf32>)
      %rev3A_293 = arith.constant 15 : i32
      %rev3A_294 = vector.broadcast %rev3A_293 : i32 to vector<16xi32>
      %rev3A_295 = tpu.iota {dimensions = array<i32: 0>} : vector<16xi32>
      %rev3A_296 = arith.subi %rev3A_294, %rev3A_295 : vector<16xi32>
      %rev3A_297 = tpu.dynamic_gather %masked_sort3A_291[%rev3A_296] in [0] : vector<16xf32>, vector<16xi32> -> vector<16xf32>
      %rev3A_298 = arith.constant 15 : i32
      %rev3A_299 = vector.broadcast %rev3A_298 : i32 to vector<16xi32>
      %rev3A_300 = tpu.iota {dimensions = array<i32: 0>} : vector<16xi32>
      %rev3A_301 = arith.subi %rev3A_299, %rev3A_300 : vector<16xi32>
      %rev3A_302 = tpu.dynamic_gather %masked_sort3A_286[%rev3A_301] in [0] : vector<16xf32>, vector<16xi32> -> vector<16xf32>
      %max3A_303 = arith.maximumf %masked_sort3A_263, %rev3A_297 : vector<16xf32>
      %max3A_304 = arith.maximumf %masked_sort3A_268, %rev3A_302 : vector<16xf32>
      %min3A_305 = arith.minimumf %masked_sort3A_263, %rev3A_297 : vector<16xf32>
      %min3A_306 = arith.minimumf %masked_sort3A_268, %rev3A_302 : vector<16xf32>
      %max3A_307 = arith.maximumf %max3A_303, %max3A_304 : vector<16xf32>
      %min3A_308 = arith.minimumf %max3A_303, %max3A_304 : vector<16xf32>
      %max3A_309 = arith.maximumf %min3A_305, %min3A_306 : vector<16xf32>
      %min3A_310 = arith.minimumf %min3A_305, %min3A_306 : vector<16xf32>
      %masked_sort3A_311 = arith.constant dense<true> : vector<16xi1>
      %masked_sort3A_312, %masked_sort3A_313, %masked_sort3A_314 = tpu.sort %max3A_307, %max3A_307 masked %masked_sort3A_311 {descending = true} : (vector<16xf32>, vector<16xf32>, vector<16xi1>) -> (vector<16xi1>, vector<16xf32>, vector<16xf32>)
      %masked_sort3A_315 = arith.constant dense<true> : vector<16xi1>
      %masked_sort3A_316, %masked_sort3A_317, %masked_sort3A_318 = tpu.sort %min3A_308, %min3A_308 masked %masked_sort3A_315 {descending = true} : (vector<16xf32>, vector<16xf32>, vector<16xi1>) -> (vector<16xi1>, vector<16xf32>, vector<16xf32>)
      %masked_sort3A_319 = arith.constant dense<true> : vector<16xi1>
      %masked_sort3A_320, %masked_sort3A_321, %masked_sort3A_322 = tpu.sort %max3A_309, %max3A_309 masked %masked_sort3A_319 {descending = true} : (vector<16xf32>, vector<16xf32>, vector<16xi1>) -> (vector<16xi1>, vector<16xf32>, vector<16xf32>)
      %masked_sort3A_323 = arith.constant dense<true> : vector<16xi1>
      %masked_sort3A_324, %masked_sort3A_325, %masked_sort3A_326 = tpu.sort %min3A_310, %min3A_310 masked %masked_sort3A_323 {descending = true} : (vector<16xf32>, vector<16xf32>, vector<16xi1>) -> (vector<16xi1>, vector<16xf32>, vector<16xf32>)
      %rev3A_327 = arith.constant 15 : i32
      %rev3A_328 = vector.broadcast %rev3A_327 : i32 to vector<16xi32>
      %rev3A_329 = tpu.iota {dimensions = array<i32: 0>} : vector<16xi32>
      %rev3A_330 = arith.subi %rev3A_328, %rev3A_329 : vector<16xi32>
      %rev3A_331 = tpu.dynamic_gather %masked_sort3A_325[%rev3A_330] in [0] : vector<16xf32>, vector<16xi32> -> vector<16xf32>
      %max3A_332 = arith.maximumf %masked_sort3A_225, %rev3A_331 : vector<16xf32>
      %rev3A_333 = arith.constant 15 : i32
      %rev3A_334 = vector.broadcast %rev3A_333 : i32 to vector<16xi32>
      %rev3A_335 = tpu.iota {dimensions = array<i32: 0>} : vector<16xi32>
      %rev3A_336 = arith.subi %rev3A_334, %rev3A_335 : vector<16xi32>
      %rev3A_337 = tpu.dynamic_gather %masked_sort3A_321[%rev3A_336] in [0] : vector<16xf32>, vector<16xi32> -> vector<16xf32>
      %max3A_338 = arith.maximumf %masked_sort3A_229, %rev3A_337 : vector<16xf32>
      %rev3A_339 = arith.constant 15 : i32
      %rev3A_340 = vector.broadcast %rev3A_339 : i32 to vector<16xi32>
      %rev3A_341 = tpu.iota {dimensions = array<i32: 0>} : vector<16xi32>
      %rev3A_342 = arith.subi %rev3A_340, %rev3A_341 : vector<16xi32>
      %rev3A_343 = tpu.dynamic_gather %masked_sort3A_317[%rev3A_342] in [0] : vector<16xf32>, vector<16xi32> -> vector<16xf32>
      %max3A_344 = arith.maximumf %masked_sort3A_233, %rev3A_343 : vector<16xf32>
      %rev3A_345 = arith.constant 15 : i32
      %rev3A_346 = vector.broadcast %rev3A_345 : i32 to vector<16xi32>
      %rev3A_347 = tpu.iota {dimensions = array<i32: 0>} : vector<16xi32>
      %rev3A_348 = arith.subi %rev3A_346, %rev3A_347 : vector<16xi32>
      %rev3A_349 = tpu.dynamic_gather %masked_sort3A_313[%rev3A_348] in [0] : vector<16xf32>, vector<16xi32> -> vector<16xf32>
      %max3A_350 = arith.maximumf %masked_sort3A_237, %rev3A_349 : vector<16xf32>
      %max3A_351 = arith.maximumf %max3A_332, %max3A_344 : vector<16xf32>
      %min3A_352 = arith.minimumf %max3A_332, %max3A_344 : vector<16xf32>
      %max3A_353 = arith.maximumf %max3A_338, %max3A_350 : vector<16xf32>
      %min3A_354 = arith.minimumf %max3A_338, %max3A_350 : vector<16xf32>
      %max3A_355 = arith.maximumf %max3A_351, %max3A_353 : vector<16xf32>
      %min3A_356 = arith.minimumf %max3A_351, %max3A_353 : vector<16xf32>
      %max3A_357 = arith.maximumf %min3A_352, %min3A_354 : vector<16xf32>
      %min3A_358 = arith.minimumf %min3A_352, %min3A_354 : vector<16xf32>
      %masked_sort3A_359 = arith.constant dense<true> : vector<16xi1>
      %masked_sort3A_360, %masked_sort3A_361, %masked_sort3A_362 = tpu.sort %max3A_355, %max3A_355 masked %masked_sort3A_359 {descending = true} : (vector<16xf32>, vector<16xf32>, vector<16xi1>) -> (vector<16xi1>, vector<16xf32>, vector<16xf32>)
      %masked_sort3A_363 = arith.constant dense<true> : vector<16xi1>
      %masked_sort3A_364, %masked_sort3A_365, %masked_sort3A_366 = tpu.sort %min3A_356, %min3A_356 masked %masked_sort3A_363 {descending = true} : (vector<16xf32>, vector<16xf32>, vector<16xi1>) -> (vector<16xi1>, vector<16xf32>, vector<16xf32>)
      %masked_sort3A_367 = arith.constant dense<true> : vector<16xi1>
      %masked_sort3A_368, %masked_sort3A_369, %masked_sort3A_370 = tpu.sort %max3A_357, %max3A_357 masked %masked_sort3A_367 {descending = true} : (vector<16xf32>, vector<16xf32>, vector<16xi1>) -> (vector<16xi1>, vector<16xf32>, vector<16xf32>)
      %masked_sort3A_371 = arith.constant dense<true> : vector<16xi1>
      %masked_sort3A_372, %masked_sort3A_373, %masked_sort3A_374 = tpu.sort %min3A_358, %min3A_358 masked %masked_sort3A_371 {descending = true} : (vector<16xf32>, vector<16xf32>, vector<16xi1>) -> (vector<16xi1>, vector<16xf32>, vector<16xf32>)
      %swap3A_375 = arith.constant 0 : index
      %swap3A_376 = tpu.vector_load %arg7[%swap3A_375] {strides = array<i32>} : memref<64xf32, #tpu.memory_space<vmem>>, vector<16xf32>,
      tpu.vector_store %arg7[%swap3A_375], %masked_sort3A_361 {strides = array<i32>} : memref<64xf32, #tpu.memory_space<vmem>>, vector<16xf32>,
      %swap3A_377 = arith.constant 16 : index
      %swap3A_378 = tpu.vector_load %arg7[%swap3A_377] {strides = array<i32>} : memref<64xf32, #tpu.memory_space<vmem>>, vector<16xf32>,
      tpu.vector_store %arg7[%swap3A_377], %masked_sort3A_365 {strides = array<i32>} : memref<64xf32, #tpu.memory_space<vmem>>, vector<16xf32>,
      %swap3A_379 = arith.constant 32 : index
      %swap3A_380 = tpu.vector_load %arg7[%swap3A_379] {strides = array<i32>} : memref<64xf32, #tpu.memory_space<vmem>>, vector<16xf32>,
      tpu.vector_store %arg7[%swap3A_379], %masked_sort3A_369 {strides = array<i32>} : memref<64xf32, #tpu.memory_space<vmem>>, vector<16xf32>,
      %swap3A_381 = arith.constant 48 : index
      %swap3A_382 = tpu.vector_load %arg7[%swap3A_381] {strides = array<i32>} : memref<64xf32, #tpu.memory_space<vmem>>, vector<16xf32>,
      tpu.vector_store %arg7[%swap3A_381], %masked_sort3A_373 {strides = array<i32>} : memref<64xf32, #tpu.memory_space<vmem>>, vector<16xf32>,
      "tpu.region"() ({
        %run_scoped3A = tpu.sem_alloc : memref<!tpu.dma_semaphore, #tpu.memory_space<semaphore_mem>>
        %dma_start3A = arith.constant 0 : i32
        %dma_start3A_383 = tpu.memref_slice %arg3[%add3A_11, %dma_start3A] : memref<64x64xf32, #tpu.memory_space<hbm>> -> memref<1x64xf32, #tpu.memory_space<hbm>>
        %dma_start3A_384 = tpu.memref_squeeze %dma_start3A_383 : memref<1x64xf32, #tpu.memory_space<hbm>> -> memref<64xf32, #tpu.memory_space<hbm>>
        %dma_start3A_385 = arith.constant 0 : i32
        %dma_start3A_386 = tpu.memref_slice %arg3[%add3A_11, %dma_start3A_385] : memref<64x64xf32, #tpu.memory_space<hbm>> -> memref<1x64xf32, #tpu.memory_space<hbm>>
        %dma_start3A_387 = tpu.memref_squeeze %dma_start3A_386 : memref<1x64xf32, #tpu.memory_space<hbm>> -> memref<64xf32, #tpu.memory_space<hbm>>
        tpu.enqueue_dma source(%arg7 : memref<64xf32, #tpu.memory_space<vmem>>) target(%dma_start3A_387 : memref<64xf32, #tpu.memory_space<hbm>>) target_semaphore(%run_scoped3A : memref<!tpu.dma_semaphore, #tpu.memory_space<semaphore_mem>>)
        %dma_wait3A = arith.constant 0 : i32
        %dma_wait3A_388 = tpu.memref_slice %arg3[%add3A_11, %dma_wait3A] : memref<64x64xf32, #tpu.memory_space<hbm>> -> memref<1x64xf32, #tpu.memory_space<hbm>>
        %dma_wait3A_389 = tpu.memref_squeeze %dma_wait3A_388 : memref<1x64xf32, #tpu.memory_space<hbm>> -> memref<64xf32, #tpu.memory_space<hbm>>
        %dma_wait3A_390 = arith.constant 0 : i32
        %dma_wait3A_391 = tpu.memref_slice %arg3[%add3A_11, %dma_wait3A_390] : memref<64x64xf32, #tpu.memory_space<hbm>> -> memref<1x64xf32, #tpu.memory_space<hbm>>
        %dma_wait3A_392 = tpu.memref_squeeze %dma_wait3A_391 : memref<1x64xf32, #tpu.memory_space<hbm>> -> memref<64xf32, #tpu.memory_space<hbm>>
        tpu.wait_dma2 semaphore(%run_scoped3A : memref<!tpu.dma_semaphore, #tpu.memory_space<semaphore_mem>>) src(%arg7 : memref<64xf32, #tpu.memory_space<vmem>>) dst(%dma_wait3A_392 : memref<64xf32, #tpu.memory_space<hbm>>)
        tpu.yield
      }) : () -> ()
      scf.yield %while3A_67#6 : i32
    }
    %scan3A_6 = arith.constant 2 : i32
    return
  }
}

</mosaic_0001>

<sc_bundles>
// kernel: kernel.3.cloned.1.call-start
scs
__scs_entry_jumppad:
0x0: {  	(pc) =	sbr.rel $0x88, $3  }
0x1: {  	(tag) =	ssettag $0x0;
	lr =	simm.s32 $0x1  }
0x2: {  	[smem:$0x3FA0] =	sst lr;
	_ =	strace $0xD0000000  }
0x3: {  	_ = 	snop  }
0x4: {  	_ = 	snop  }
0x5: {  	_ = 	snop  }
0x6: {  	_ = 	snop  }
0x7: {  	_ = 	snop  }
__scs_overlays_trampoline_lowered:
0x8: {  	[smem:$0x3FAF] =	sst s0  }
0x9: {  	[smem:$0x3FB0] =	sst s1  }
0xa: {  	[smem:$0x3FB1] =	sst s2  }
0xb: {  	[smem:$0x3FB2] =	sst s3  }
0xc: {  	[smem:$0x3FB3] =	sst s4  }
0xd: {  	[smem:$0x3FB4] =	sst s5  }
0xe: {  	[smem:$0x3FB5] =	sst s6  }
0xf: {  	[smem:$0x3FB6] =	sst s7  }
0x10: {  	[smem:$0x3FB7] =	sst s8  }
0x11: {  	[smem:$0x3FB8] =	sst s9;
	s0 =	simm.s32 @!p0 $0x0  }
0x12: {  	s1 =	sld [smem:$0x3F9E];
	s0 =	simm.s32 @p0 $0x1  }
0x13: {  	[smem:$0x3FB9] =	sst s0;
	s0 =	simm.s32 @!p1 $0x0  }
0x14: {  	s2 =	sld [smem:$0x3F9D];
	s0 =	simm.s32 @p1 $0x1  }
0x15: {  	[smem:$0x3FBA] =	sst s0;
	s0 =	simm.s32 @!p2 $0x0  }
0x16: {  	s3 =	sld [smem:$0x3FDB];
	s0 =	simm.s32 @p2 $0x1  }
0x17: {  	s4 =	simm.s32 $0x1BF5;
	[smem:$0x3FBC] =	sst s0  }
0x18: {  	s0 =	sld [smem:$0x3F9F];
	_ =	swait.ge [sflag:s4], $0x0  }
0x19: {  	s7 =	sld [smem:$0x3FA0]  }
0x1a: {  	s8 =	sadd.s32 $0xFFFFE003, lr  }
0x1b: {  	s9 =	sadd.s32 $0xFFFFFEF7, lr;
	s5 =	simm.s32 $0xFFFFFFFF;
	p2 =	slt.u32 s8, $0xFFFFF086  }
0x1c: {  	p1 =	slt.u32 s9, $0xF7A;
	s5 =	simm.s32 @!p2 $0x0  }
0x1d: {  	s5 =	simm.s32 @p1 $0x1;
	p0 =	seq.s32 s7, s2  }
0x1e: {  	s7 =	smul.u32 @!p0 $0xF7A, s2;
	p2 =	seq.s32 @!p0 s5, $0x0  }
0x1f: {  	s9 =	smul.u32 $0xF7A, s1;
	s8 =	simm.s32 @!p0 $0x1BF5;
	p2 =	por !p2, p0  }
0x20: {  	[sflag:s8] =	ssyncset.s32 @!p0 $0xFFFFF086;
	s6 =	sadd.s32 @!p0 s3, s7;
	s7 =	simm.s32 @!p0 $0x108  }
0x21: {  	s3 =	sadd.s32 s3, s9;
	s6 =	sadd.s32 @!p0 $0x88, s6;
	s7 =	simm.s32 @p2 $0x1082  }
0x22: {  	[simem:s7], [sflag:s8] =	dma.local @!p0 [hbm:s6], $0xF7A  }
0x23: {  	s9 =	sor.u32 $0xD0000000, s2;
	s6 =	simm.s32 $0x108;
	_ =	swait.ge @!p0 [sflag:s8], $0x0  }
0x24: {  	s3 =	sadd.s32 $0x88, s3;
	s6 =	simm.s32 @!p1 $0x1082;
	[sflag:s4] =	ssyncset.s32 $0xFFFFF086  }
0x25: {  	[simem:s6], [sflag:s4] =	dma.local [hbm:s3], $0xF7A  }
0x26: {  	[smem:$0x3FA0] =	sst s1;
	(tag) =	ssettag s2;
	_ =	strace s9  }
0x27: {  	s1 =	sld [smem:$0x3FB0]  }
0x28: {  	s2 =	sld [smem:$0x3FB1]  }
0x29: {  	s4 =	sld [smem:$0x3FB3]  }
0x2a: {  	p0 =	seq.s32 s5, $0x0;
	s5 =	sld [smem:$0x3FB4]  }
0x2b: {  	s6 =	sld [smem:$0x3FB5]  }
0x2c: {  	s7 =	sld [smem:$0x3FB6]  }
0x2d: {  	s3 =	simm.s32 $0x108;
	s8 =	sld [smem:$0x3FB7]  }
0x2e: {  	s3 =	simm.s32 @!p0 $0x1082;
	s9 =	sld [smem:$0x3FB8]  }
0x2f: {  	lr =	sadd.s32 s0, s3;
	s0 =	sld [smem:$0x3FAF]  }
0x30: {  	s3 =	sld [smem:$0x3FB2]  }
0x31: {  	[smem:$0x3FBB] =	sst s10  }
0x32: {  	s10 =	sld [smem:$0x3FB9];
	_ =	sdelay $0x3  }
0x33: {  	p0 =	seq.s32 s10, $0x1;
	s10 =	sld [smem:$0x3FBB];
	_ =	sdelay $0x3  }
0x34: {  	[smem:$0x3FBB] =	sst s10  }
0x35: {  	s10 =	sld [smem:$0x3FBA];
	_ =	sdelay $0x3  }
0x36: {  	p1 =	seq.s32 s10, $0x1;
	s10 =	sld [smem:$0x3FBB];
	_ =	sdelay $0x3  }
0x37: {  	[smem:$0x3FBB] =	sst s10  }
0x38: {  	s10 =	sld [smem:$0x3FBC]  }
0x39: {  	_ = 	snop;
	(pc) =	sbr.ind lr, $3  }
0x3a: {  	_ = 	snop  }
0x3b: {  	_ = 	snop  }
0x3c: {  	p2 =	seq.s32 s10, $0x1;
	s10 =	sld [smem:$0x3FBB]  }
0x3d: {  	_ =	shalt  }
0x3e: {  	_ =	shalt  }
0x3f: {  	_ =	shalt  }
0x40: {  	_ =	shalt  }
0x41: {  	_ =	shalt  }
0x42: {  	_ =	shalt  }
0x43: {  	_ =	shalt  }
0x44: {  	_ =	shalt  }
0x45: {  	_ =	shalt  }
0x46: {  	_ =	shalt  }
0x47: {  	_ =	shalt  }
0x48: {  	_ =	shalt  }
0x49: {  	_ =	shalt  }
0x4a: {  	_ =	shalt  }
0x4b: {  	_ =	shalt  }
0x4c: {  	_ =	shalt  }
0x4d: {  	_ =	shalt  }
0x4e: {  	_ =	shalt  }
0x4f: {  	_ =	shalt  }
0x50: {  	_ =	shalt  }
0x51: {  	_ =	shalt  }
0x52: {  	_ =	shalt  }
0x53: {  	_ =	shalt  }
0x54: {  	_ =	shalt  }
0x55: {  	_ =	shalt  }
0x56: {  	_ =	shalt  }
0x57: {  	_ =	shalt  }
0x58: {  	_ =	shalt  }
0x59: {  	_ =	shalt  }
0x5a: {  	_ =	shalt  }
0x5b: {  	_ =	shalt  }
0x5c: {  	_ =	shalt  }
0x5d: {  	_ =	shalt  }
0x5e: {  	_ =	shalt  }
0x5f: {  	_ =	shalt  }
0x60: {  	_ =	shalt  }
0x61: {  	_ =	shalt  }
0x62: {  	_ =	shalt  }
0x63: {  	_ =	shalt  }
0x64: {  	_ =	shalt  }
0x65: {  	_ =	shalt  }
0x66: {  	_ =	shalt  }
0x67: {  	_ =	shalt  }
0x68: {  	_ =	shalt  }
0x69: {  	_ =	shalt  }
0x6a: {  	_ =	shalt  }
0x6b: {  	_ =	shalt  }
0x6c: {  	_ =	shalt  }
0x6d: {  	_ =	shalt  }
0x6e: {  	_ =	shalt  }
0x6f: {  	_ =	shalt  }
0x70: {  	_ =	shalt  }
0x71: {  	_ =	shalt  }
0x72: {  	_ =	shalt  }
0x73: {  	_ =	shalt  }
0x74: {  	_ =	shalt  }
0x75: {  	_ =	shalt  }
0x76: {  	_ =	shalt  }
0x77: {  	_ =	shalt  }
0x78: {  	_ =	shalt  }
0x79: {  	_ =	shalt  }
0x7a: {  	_ =	shalt  }
0x7b: {  	_ =	shalt  }
0x7c: {  	_ =	shalt  }
0x7d: {  	_ =	shalt  }
0x7e: {  	_ =	shalt  }
0x7f: {  	_ =	shalt  }
0x80: {  	_ =	shalt  }
0x81: {  	_ =	shalt  }
0x82: {  	_ =	shalt  }
0x83: {  	_ =	shalt  }
0x84: {  	_ =	shalt  }
0x85: {  	_ =	shalt  }
0x86: {  	_ =	shalt  }
0x87: {  	_ =	shalt  }
.Lfunc_end0:
.L_simem_size_0:
called_computation_lowered:
.L_overlay_start_0:
0x88: {  	s2 =	sld [smem:$0x3FD9]  }
0x89: {  	s3 =	sld [smem:$0x3FFE];
	_ =	sdelay $0x1  }
0x8a: {  	s1 =	srdreg.scid  }
0x8b: {  	s0 =	sand.u32 $0x1, s1  }
0x8c: {  	s18 =	sshll.u32 s0, $0xA;
	s2 =	sadd.s32 s3, s2  }
0x8d: {  	s2 =	sadd.s32 s2, s18  }
0x8e: {  	[smem:$0x3FC7] =	sst s2  }
0x8f: {  	_ = 	snop  }
0x90: {  	s2 =	sld [smem:$0x3FC9]  }
0x91: {  	s19 =	sld [smem:$0x3FD0];
	(tm) =	ssettm $0x1  }
0x92: {  	s4 =	sld [smem:$0x3FFB];
	_ =	sdelay $0x3  }
0x93: {  	_ =	strace s4  }
0x94: {  	s4 =	sld [smem:$0x3FFC];
	_ =	sdelay $0x3  }
0x95: {  	_ =	strace s4  }
0x96: {  	s4 =	sld [smem:$0x3FFD];
	_ =	sdelay $0x3  }
0x97: {  	_ =	strace s4  }
0x98: {  	_ =	strace $0x8FFFFFFF  }
0x99: {  	s20 =	sld [smem:$0x3FDB];
	_ =	sdelay $0x1  }
0x9a: {  	s5 =	simm.s32 $_scs_section_size  }
0x9b: {  	s6 =	simm.s32 $_size__tile_overlayer_lowered;
	s7 =	simm.s32 $_tile_overlayer_lowered  }
0x9c: {  	s23 =	simm.s32 $0x1BFF;
	s22 =	sshll.u32 s7, $0x1;
	s4 =	sadd.s32 s5, s20  }
0x9d: {  	s8 =	simm.s32 $0x0;
	s21 =	sshll.u32 s6, $0x1;
	s6 =	sadd.s32 s22, s4  }
0x9e: {  	[timem:s8], [sflag:s23] =	dma.local [hbm:s6], s21  }
0x9f: {  	_ =	swait.ge [sflag:s23], s21  }
0xa0: {  	s5 =	ssub.s32 $0x0, s21;
	[sflag:s23] =	ssyncset.done $0x0  }
0xa1: {  	[sflag:s23] =	ssyncadd.s32 s5;
	_ =	sdelay $0x1  }
0xa2: {  	s24 =	simm.s32 $0x1B8B  }
0xa3: {  	_ =	swait.ge [sflag:s24], $0x1  }
0xa4: {  	[sflag:s24] =	ssyncset.done $0x0  }
0xa5: {  	s25 =	simm.s32 $0x1B8E;
	[sflag:s24] =	ssyncadd.s32 $0xFFFFFFFF  }
0xa6: {  	s26 =	simm.s32 $execute0_lowered;
	[smem:$0x3FD2] =	sst s25  }
0xa7: {  	s5 =	sshll.u32 s26, $0x1;
	_ =	strace $0x80000046;
	[dreg:$0x1] =	wrdreg $0xFFFFFFFF  }
0xa8: {  	s28 =	simm.s32 $_size_execute0_lowered;
	s4 =	sadd.s32 s4, s5;
	[dreg:$0x0] =	wrdreg $0x0  }
0xa9: {  	s5 =	sshll.u32 s28, $0x1;
	[dreg:$0x2] =	wrdreg s4  }
0xaa: {  	[dreg:$0x3] =	wrdreg s5  }
0xab: {  	[dreg:$0x4] =	wrdreg $0xC0  }
0xac: {  	_ =	task [dreg:s8], $0x5FFFF  }
0xad: {  	[dreg:$0x1] =	wrdreg $0xFFFFFFFF  }
0xae: {  	[dreg:$0x0] =	wrdreg $0x60  }
0xaf: {  	[dreg:$0x2] =	wrdreg s2  }
0xb0: {  	[dreg:$0x3] =	wrdreg s19  }
0xb1: {  	[dreg:$0x4] =	wrdreg $0x9  }
0xb2: {  	_ =	task.clear_ibuf [dreg:s8], $0x5FFFF;
	_ =	strace $0x90000046  }
0xb3: {  	s29 =	simm.s32 $0x9;
	_ =	strace $0x80000048  }
0xb4: {  	_ =	swait.ge [sflag:s29], $0x1  }
0xb5: {  	[sflag:s29] =	ssyncadd.s32 $0xFFFFFFFF  }
0xb6: {  	_ =	strace $0x90000048  }
0xb7: {  	_ =	sfence  }
0xb8: {  	s30 =	sld [smem:$0x0];
	_ =	sdelay $0x2  }
0xb9: {  	s31 =	sshll.u32 s1, $0xD;
	s1 =	sshrl.u32 s1, $0x2  }
0xba: {  	s3 =	sand.u32 $0x4000, s31;
	s1 =	sadd.s32 s1, s30  }
0xbb: {  	s0 =	sor.u32 s3, s0;
	s1 =	sshll.u32 s1, $0x11  }
0xbc: {  	s0 =	sor.u32 s1, s0  }
0xbd: {  	s0 =	sadd.s32 $0x8F2B, s0  }
0xbe: {  	[sflag:s0] =	ssyncadd.remote.s32 $0x1  }
0xbf: {  	_ =	sfence.sel $0xFFFF  }
0xc0: {  	[dreg:$0x0] =	wrdreg $0xFFFFFFFF;
	(pc) =	sbr.abs _section_cstart, $3  }
0xc1: {  	[dreg:$0x1] =	wrdreg $0xFFFFFFFF  }
0xc2: {  	_ =	task.clear_ibuf [dreg:s8], $0x2FFFF;
	_ =	strace $0x9FFFFFFF  }
0xc3: {  	(tm) =	ssettm $0x7FFFFFFF  }
tec
execute0_lowered:
.L_overlay_start_1:
0x0: {  	(tag) =	ssettag $0x1  }
0x1: {  	s1 =	rddreg [dreg:$0x0]  }
0x2: {  	s2 =	rddreg [dreg:$0x1]  }
0x3: {  	s4 =	srdreg.scid;
	s3 =	simm.s32 $0x0;
	s11 =	simm.s32 $0x1  }
0x4: {  	s12 =	simm.s32 $0x40000000;
	s13 =	simm.s32 $0x8180;
	s14 =	simm.s32 $0x0  }
0x5: {  	s5 =	sand.u32 $0x1, s4;
	[smem:$0x7FF] =	sst s3;
	s4 =	stileid.u32  }
.Ltmp0:
0x6: {  	s6 =	ssub.s32 $0x2, s5;
	_ =	strace $0x80000047;
	(pc) =	sbr.rel .LBB2_1-.Ltmp0, $4  }
0x7: {  	v0 =	vlaneseq.u32;
	s31 =	sshll.u32 s4, $0x9;
	s8 =	sshrl.u32 s4, $0x1;
	s9 =	sshll.u32 s5, $0x8  }
0x8: {  	v5 =	vmul.u32 $0xFFFFFFFF, v0;
	s7 =	sshrl.u32 s6, $0x1;
	s5 =	sshll.u32 s8, $0x10;
	s10 =	sand.u32 $0x200, s31  }
0x9: {  	v1 =	vimm.f32 $-Inf;
	v2 =	vor.u32 $0x10, v0;
	s7 =	ssub.s32 s6, s7;
	s6 =	sshll.u32 s8, $0xA;
	s8 =	sor.u32 s9, s10  }
0xa: {  	v3 =	vor.u32 $0x20, v0;
	v4 =	vor.u32 $0x30, v0;
	v5 =	vadd.s32 $0xF, v5;
	s9 =	simm.s32 $0x80;
	s10 =	simm.s32 $0x400;
	s7 =	smax.u32 s7, $0x1  }
.LBB2_34:
0xb: {  	s14 =	sadd.s32 $0x1, s14  }
0xc: {  	p0 =	sne.s32 s14, s7  }
.Ltmp1:
0xd: {  	_ = 	snop;
	(pc) =	sbr.rel @!p0 .LBB2_35-.Ltmp1, $1  }
0xe: {  	_ =	sdelay $0x3  }
.LBB2_1:
.Ltmp2:
0xf: {  	(pc) =	sbr.rel .LBB2_2-.Ltmp2, $2  }
0x10: {  	_ =	sdelay $0x2  }
0x11: {  	p1 =	por $0x1, $0x1;
	s15 =	simm.s32 $0x0  }
.LBB2_32:
0x12: {  	s25 =	smov.u32 @p2 s25;
	s23 =	smov.u32 @p2 s23  }
0x13: {  	s16 =	smov.u32 @p2 s16;
	s17 =	smov.u32 s25;
	s18 =	smov.u32 s23  }
.LBB2_33:
0x14: {  	v6 =	vld [tilespmem:s17+$0x2000];
	_ =	sdelay $0x3  }
0x15: {  	v7 =	vmov s18  }
0x16: {  	vm0 =	vlt.s32 v6, $0x0;
	v8 =	vand.u32 $0x7FFFFFFF, v6;
	v6 =	vxor.u32 $0xFFFFFFFF, v6  }
0x17: {  	vm1 =	vgt.s32 v7, v0;
	v6 =	vsel vm0, v8, v6  }
0x18: {  	[tilespmem:s16+$0x8080] =	vst.msk vm1, v6  }
0x19: {  	v6 =	vld [tilespmem:s17+$0x2010];
	_ =	sdelay $0x4  }
0x1a: {  	vm10 =	vlt.s32 v6, $0x0;
	v29 =	vand.u32 $0x7FFFFFFF, v6;
	v6 =	vxor.u32 $0xFFFFFFFF, v6  }
0x1b: {  	vm11 =	vgt.s32 v7, v2;
	v6 =	vsel vm10, v29, v6  }
0x1c: {  	[tilespmem:s16+$0x8090] =	vst.msk vm11, v6  }
0x1d: {  	v6 =	vld [tilespmem:s17+$0x2020];
	_ =	sdelay $0x4  }
0x1e: {  	vm12 =	vlt.s32 v6, $0x0;
	v30 =	vand.u32 $0x7FFFFFFF, v6;
	v6 =	vxor.u32 $0xFFFFFFFF, v6  }
0x1f: {  	vm13 =	vgt.s32 v7, v3;
	v6 =	vsel vm12, v30, v6  }
0x20: {  	[tilespmem:s16+$0x80A0] =	vst.msk vm13, v6  }
0x21: {  	v6 =	vld [tilespmem:s17+$0x2030];
	_ =	sdelay $0x4  }
0x22: {  	vm14 =	vlt.s32 v6, $0x0;
	v31 =	vand.u32 $0x7FFFFFFF, v6;
	v6 =	vxor.u32 $0xFFFFFFFF, v6  }
0x23: {  	vm15 =	vgt.s32 v7, v4;
	v6 =	vsel vm14, v31, v6  }
0x24: {  	[tilespmem:s16+$0x80B0] =	vst.msk vm15, v6  }
0x25: {  	v6 =	vld [tilespmem:$0x8080]  }
0x26: {  	v7 =	vld [tilespmem:$0x8090];
	_ =	sdelay $0x3  }
0x27: {  	(xrf1) =	vsort.dscd.msk.f32 $0xffff, v6, v6  }
0x28: {  	(xrf1) =	vsort.dscd.msk.f32 $0xffff, v7, v7;
	_ =	sdelay $0xc  }
0x29: {  	v6, _, _ =	vpop (xrf1)  }
0x2a: {  	v7, _, _ =	vpop (xrf1)  }
0x2b: {  	v32 =	vld [tilespmem:$0x80A0];
	v7 =	vperm.xlane v7, v5  }
0x2c: {  	v9 =	vld [tilespmem:$0x80B0]  }
0x2d: {  	v10 =	vmax.f32 v6, v7  }
0x2e: {  	v6 =	vmin.f32 v6, v7;
	(xrf1) =	vsort.dscd.msk.f32 $0xffff, v10, v10  }
0x2f: {  	(xrf1) =	vsort.dscd.msk.f32 $0xffff, v6, v6  }
0x30: {  	(xrf1) =	vsort.dscd.msk.f32 $0xffff, v32, v32  }
0x31: {  	(xrf1) =	vsort.dscd.msk.f32 $0xffff, v9, v9;
	_ =	sdelay $0xa  }
0x32: {  	v6, _, _ =	vpop (xrf1)  }
0x33: {  	v7, _, _ =	vpop (xrf1)  }
0x34: {  	v8, _, _ =	vpop (xrf1)  }
0x35: {  	v9, _, _ =	vpop (xrf1)  }
0x36: {  	v9 =	vperm.xlane v9, v5;
	_ =	sdelay $0x1  }
0x37: {  	v33 =	vmax.f32 v8, v9  }
0x38: {  	v8 =	vmin.f32 v8, v9;
	(xrf1) =	vsort.dscd.msk.f32 $0xffff, v33, v33  }
0x39: {  	(xrf1) =	vsort.dscd.msk.f32 $0xffff, v8, v8;
	_ =	sdelay $0xc  }
0x3a: {  	v34, _, _ =	vpop (xrf1)  }
0x3b: {  	v35, _, _ =	vpop (xrf1)  }
0x3c: {  	v8 =	vperm.xlane v34, v5;
	v9 =	vperm.xlane v35, v5;
	_ =	sdelay $0x1  }
0x3d: {  	v11 =	vmax.f32 v7, v8;
	v36 =	vmax.f32 v6, v9  }
0x3e: {  	v12 =	vld [tilespmem:$0x80C0];
	v7 =	vmin.f32 v7, v8;
	v37 =	vmax.f32 v36, v11  }
0x3f: {  	v39 =	vld [tilespmem:$0x80D0];
	v6 =	vmin.f32 v6, v9;
	v38 =	vmin.f32 v36, v11;
	(xrf1) =	vsort.dscd.msk.f32 $0xffff, v37, v37  }
0x40: {  	v40 =	vmax.f32 v6, v7;
	(xrf1) =	vsort.dscd.msk.f32 $0xffff, v38, v38  }
0x41: {  	v6 =	vmin.f32 v6, v7;
	(xrf1) =	vsort.dscd.msk.f32 $0xffff, v40, v40  }
0x42: {  	(xrf1) =	vsort.dscd.msk.f32 $0xffff, v6, v6  }
0x43: {  	(xrf1) =	vsort.dscd.msk.f32 $0xffff, v12, v12  }
0x44: {  	(xrf1) =	vsort.dscd.msk.f32 $0xffff, v39, v39;
	_ =	sdelay $0x8  }
0x45: {  	v6, _, _ =	vpop (xrf1)  }
0x46: {  	v7, _, _ =	vpop (xrf1)  }
0x47: {  	v41, _, _ =	vpop (xrf1)  }
0x48: {  	v42, _, _ =	vpop (xrf1)  }
0x49: {  	v43, _, _ =	vpop (xrf1)  }
0x4a: {  	v44, _, _ =	vpop (xrf1)  }
0x4b: {  	v45 =	vld [tilespmem:$0x80E0];
	v11 =	vperm.xlane v44, v5  }
0x4c: {  	v13 =	vld [tilespmem:$0x80F0]  }
0x4d: {  	v14 =	vmax.f32 v43, v11  }
0x4e: {  	v10 =	vmin.f32 v43, v11;
	(xrf1) =	vsort.dscd.msk.f32 $0xffff, v14, v14  }
0x4f: {  	(xrf1) =	vsort.dscd.msk.f32 $0xffff, v10, v10  }
0x50: {  	(xrf1) =	vsort.dscd.msk.f32 $0xffff, v45, v45  }
0x51: {  	(xrf1) =	vsort.dscd.msk.f32 $0xffff, v13, v13;
	_ =	sdelay $0xa  }
0x52: {  	v46, _, _ =	vpop (xrf1)  }
0x53: {  	v47, _, _ =	vpop (xrf1)  }
0x54: {  	v12, _, _ =	vpop (xrf1)  }
0x55: {  	v13, _, _ =	vpop (xrf1)  }
0x56: {  	v13 =	vperm.xlane v13, v5;
	_ =	sdelay $0x1  }
0x57: {  	v48 =	vmax.f32 v12, v13  }
0x58: {  	v12 =	vmin.f32 v12, v13;
	(xrf1) =	vsort.dscd.msk.f32 $0xffff, v48, v48  }
0x59: {  	(xrf1) =	vsort.dscd.msk.f32 $0xffff, v12, v12;
	_ =	sdelay $0xc  }
0x5a: {  	v49, _, _ =	vpop (xrf1)  }
0x5b: {  	v50, _, _ =	vpop (xrf1)  }
0x5c: {  	v12 =	vperm.xlane v49, v5;
	v13 =	vperm.xlane v50, v5;
	_ =	sdelay $0x1  }
0x5d: {  	v15 =	vmax.f32 v47, v12;
	v51 =	vmax.f32 v46, v13  }
0x5e: {  	v11 =	vmin.f32 v47, v12;
	v52 =	vmax.f32 v51, v15  }
0x5f: {  	v10 =	vmin.f32 v46, v13;
	v53 =	vmin.f32 v51, v15;
	(xrf1) =	vsort.dscd.msk.f32 $0xffff, v52, v52  }
0x60: {  	v54 =	vmax.f32 v10, v11;
	(xrf1) =	vsort.dscd.msk.f32 $0xffff, v53, v53  }
0x61: {  	v10 =	vmin.f32 v10, v11;
	(xrf1) =	vsort.dscd.msk.f32 $0xffff, v54, v54  }
0x62: {  	(xrf1) =	vsort.dscd.msk.f32 $0xffff, v10, v10;
	_ =	sdelay $0xa  }
0x63: {  	v55, _, _ =	vpop (xrf1)  }
0x64: {  	v56, _, _ =	vpop (xrf1)  }
0x65: {  	v57, _, _ =	vpop (xrf1)  }
0x66: {  	v10 =	vperm.xlane v55, v5;
	v11 =	vperm.xlane v56, v5;
	v58, _, _ =	vpop (xrf1)  }
0x67: {  	v12 =	vperm.xlane v57, v5;
	v13 =	vperm.xlane v58, v5  }
0x68: {  	v9 =	vmax.f32 v42, v10  }
0x69: {  	v8 =	vmax.f32 v41, v11;
	v7 =	vmax.f32 v7, v12;
	v6 =	vmax.f32 v6, v13  }
0x6a: {  	v60 =	vmax.f32 v7, v9;
	v59 =	vmax.f32 v6, v8  }
0x6b: {  	v7 =	vmin.f32 v7, v9;
	v61 =	vmax.f32 v59, v60  }
0x6c: {  	v6 =	vmin.f32 v6, v8;
	v62 =	vmin.f32 v59, v60;
	(xrf1) =	vsort.dscd.msk.f32 $0xffff, v61, v61  }
0x6d: {  	v63 =	vmax.f32 v6, v7;
	(xrf1) =	vsort.dscd.msk.f32 $0xffff, v62, v62  }
0x6e: {  	v6 =	vmin.f32 v6, v7;
	(xrf1) =	vsort.dscd.msk.f32 $0xffff, v63, v63  }
0x6f: {  	(xrf1) =	vsort.dscd.msk.f32 $0xffff, v6, v6;
	_ =	sdelay $0xa  }
0x70: {  	v6, _, _ =	vpop (xrf1)  }
0x71: {  	v7, _, _ =	vpop (xrf1);
	[tilespmem:$0x8180] =	vst v6  }
0x72: {  	s0 =	sor.u32 s6, s15;
	v6, _, _ =	vpop (xrf1);
	[tilespmem:$0x8190] =	vst v7  }
0x73: {  	s0 =	sshrl.u32 s0, $0x3;
	v7, _, _ =	vpop (xrf1);
	[tilespmem:$0x81A0] =	vst v6  }
.Ltmp3:
0x74: {  	s0 =	sadd.s32 s2, s0;
	[tilespmem:$0x81B0] =	vst v7;
	(pc) =	sbr.rel @!p0 .LBB2_34-.Ltmp3, $4  }
0x75: {  	[hbm4b:s0+s3] =	stream.linear.scatter [tilespmem:s13], [sflag:$0x1], $0x80, $0x38;
	[tilespmem:$0x8200] =	vst v63  }
0x76: {  	_ =	swait.ge [sflag:s11], $0x80  }
0x77: {  	[sflag:s11] =	ssyncset.done $0x0  }
0x78: {  	s15 =	simm.s32 $0x80;
	p1 =	por $0x0, $0x0;
	[sflag:s11] =	ssyncadd.s32 $0xFFFFFF80  }
.LBB2_2:
0x79: {  	s15 =	sor.u32 s8, s15  }
0x7a: {  	s16 =	sor.u32 s5, s15  }
0x7b: {  	s16 =	sshrl.u32 s16, $0x3  }
0x7c: {  	s17 =	simm.s32 $0x0;
	s16 =	sadd.s32 s1, s16  }
0x7d: {  	[tilespmem:s17], [sflag:$0x1] =	stream.strided.gather [hbm4b:s16+s9], $0x2000, s10, s9, $0x38;
	[tilespmem:$0x8200] =	vst v63  }
0x7e: {  	_ =	swait.ge [sflag:s11], $0x2000  }
0x7f: {  	[sflag:s11] =	ssyncset.done $0x0  }
0x80: {  	[sflag:s11] =	ssyncadd.s32 $0xFFFFE000  }
0x81: {  	[tilespmem:$0x8080] =	vst v1  }
0x82: {  	[tilespmem:$0x8090] =	vst v1  }
0x83: {  	[tilespmem:$0x80A0] =	vst v1  }
0x84: {  	[tilespmem:$0x80B0] =	vst v1  }
0x85: {  	[tilespmem:$0x80C0] =	vst v1  }
0x86: {  	[tilespmem:$0x80D0] =	vst v1  }
0x87: {  	[tilespmem:$0x80E0] =	vst v1  }
0x88: {  	s28 =	simm.s32 $0x0;
	[tilespmem:$0x80F0] =	vst v1  }
0x89: {  	v6 =	vld [tilespmem:s28+$0x0];
	_ =	sdelay $0x4  }
0x8a: {  	vm0 =	vlt.s32 v6, $0x0;
	v7 =	vxor.u32 $0xFFFFFFFF, v6;
	v6 =	vor.u32 $0x80000000, v6  }
0x8b: {  	v6 =	vsel vm0, v7, v6  }
0x8c: {  	vm0 =	vlt.s32 v6, $0x0  }
0x8d: {  	s18 =	simm.s32 $0x2000;
	vm1 =	vge.s32 v6, $0x0;
	[tilespmem:s17+$0x2000] =	vst.msk vm0, v6;
	v7 =	vmpcnt.ones.xlane vm0  }
0x8e: {  	[tilespmem:s18+$0x2000] =	vst.msk vm1, v6  }
0x8f: {  	v6 =	vld [tilespmem:s28+$0x10];
	(v2sf) =	vpush v7, $0x0;
	_ =	sdelay $0x4  }
0x90: {  	vm0 =	vlt.s32 v6, $0x0;
	v7 =	vxor.u32 $0xFFFFFFFF, v6;
	v6 =	vor.u32 $0x80000000, v6  }
0x91: {  	v6 =	vsel vm0, v7, v6  }
0x92: {  	vm0 =	vlt.s32 v6, $0x0  }
0x93: {  	v7 =	vmpcnt.ones.xlane vm0;
	_ =	sdelay $0x1  }
0x94: {  	(v2sf) =	vpush v7, $0x0;
	_ =	sdelay $0x4  }
0x95: {  	s29 =	spop (v2sf)  }
0x96: {  	s30 =	sadd.s32 $0x0, s29  }
0x97: {  	vm1 =	vge.s32 v6, $0x0;
	s17 =	ssub.s32 $0x2000, s29;
	[tilespmem:s30+$0x2000] =	vst.msk vm0, v6  }
0x98: {  	[tilespmem:s17+$0x2010] =	vst.msk vm1, v6  }
0x99: {  	v6 =	vld [tilespmem:s28+$0x20];
	_ =	sdelay $0x4  }
0x9a: {  	vm0 =	vlt.s32 v6, $0x0;
	v7 =	vxor.u32 $0xFFFFFFFF, v6;
	v6 =	vor.u32 $0x80000000, v6  }
0x9b: {  	v6 =	vsel vm0, v7, v6;
	s19 =	spop (v2sf)  }
0x9c: {  	s18 =	sadd.s32 s30, s19;
	vm0 =	vlt.s32 v6, $0x0  }
0x9d: {  	s17 =	ssub.s32 s17, s19;
	vm1 =	vge.s32 v6, $0x0;
	[tilespmem:s18+$0x2000] =	vst.msk vm0, v6;
	v7 =	vmpcnt.ones.xlane vm0  }
0x9e: {  	[tilespmem:s17+$0x2020] =	vst.msk vm1, v6  }
0x9f: {  	v6 =	vld [tilespmem:s28+$0x30];
	(v2sf) =	vpush v7, $0x0;
	_ =	sdelay $0x4  }
0xa0: {  	vm0 =	vlt.s32 v6, $0x0;
	v7 =	vxor.u32 $0xFFFFFFFF, v6;
	v6 =	vor.u32 $0x80000000, v6  }
0xa1: {  	v6 =	vsel vm0, v7, v6  }
0xa2: {  	vm0 =	vlt.s32 v6, $0x0  }
0xa3: {  	v7 =	vmpcnt.ones.xlane vm0;
	_ =	sdelay $0x1  }
0xa4: {  	(v2sf) =	vpush v7, $0x0;
	_ =	sdelay $0x4  }
0xa5: {  	s31 =	spop (v2sf)  }
0xa6: {  	s18 =	sadd.s32 s18, s31  }
0xa7: {  	vm1 =	vge.s32 v6, $0x0;
	s20 =	ssub.s32 s17, s31;
	[tilespmem:s18+$0x2000] =	vst.msk vm0, v6  }
0xa8: {  	s16 =	simm.s32 $0x40;
	[tilespmem:s20+$0x2030] =	vst.msk vm1, v6  }
0xa9: {  	v6 =	vld [tilespmem:s16+$0x0];
	_ =	sdelay $0x4  }
0xaa: {  	vm0 =	vlt.s32 v6, $0x0;
	v7 =	vxor.u32 $0xFFFFFFFF, v6;
	v6 =	vor.u32 $0x80000000, v6  }
0xab: {  	p0 =	por p1, p1;
	v6 =	vsel vm0, v7, v6;
	s21 =	spop (v2sf)  }
0xac: {  	s17 =	simm.s32 $0x200;
	vm0 =	vge.s32 v6, $0x0;
	vm1 =	vlt.s32 v6, $0x0;
	s19 =	sadd.s32 s18, s21;
	s18 =	ssub.s32 s20, s21  }
.LBB2_3:
0xad: {  	p1 =	sne.s32 s17, $0x7F00  }
0xae: {  	[tilespmem:s19+$0x2000] =	vst.msk vm1, v6;
	v7 =	vmpcnt.ones.xlane vm1;
	s20 =	sadd.s32 $0x40, s18;
	s18 =	smov.u32 s17;
	s17 =	sadd.s32 $0x100, s17  }
0xaf: {  	[tilespmem:s20+$0x2000] =	vst.msk vm0, v6  }
0xb0: {  	v6 =	vld [tilespmem:s16+$0x10];
	(v2sf) =	vpush v7, $0x0;
	_ =	sdelay $0x4  }
0xb1: {  	vm0 =	vlt.s32 v6, $0x0;
	v7 =	vxor.u32 $0xFFFFFFFF, v6;
	v6 =	vor.u32 $0x80000000, v6  }
0xb2: {  	v6 =	vsel vm0, v7, v6  }
0xb3: {  	vm0 =	vlt.s32 v6, $0x0  }
0xb4: {  	v7 =	vmpcnt.ones.xlane vm0;
	_ =	sdelay $0x1  }
0xb5: {  	(v2sf) =	vpush v7, $0x0;
	_ =	sdelay $0x4  }
0xb6: {  	s21 =	spop (v2sf)  }
0xb7: {  	s19 =	sadd.s32 s19, s21  }
0xb8: {  	vm1 =	vge.s32 v6, $0x0;
	s20 =	ssub.s32 s20, s21;
	[tilespmem:s19+$0x2000] =	vst.msk vm0, v6  }
0xb9: {  	[tilespmem:s20+$0x2010] =	vst.msk vm1, v6  }
0xba: {  	v6 =	vld [tilespmem:s16+$0x20];
	_ =	sdelay $0x4  }
0xbb: {  	vm0 =	vlt.s32 v6, $0x0;
	v7 =	vxor.u32 $0xFFFFFFFF, v6;
	v6 =	vor.u32 $0x80000000, v6  }
0xbc: {  	v6 =	vsel vm0, v7, v6;
	s21 =	spop (v2sf)  }
0xbd: {  	s19 =	sadd.s32 s19, s21;
	s20 =	ssub.s32 s20, s21;
	vm0 =	vlt.s32 v6, $0x0  }
0xbe: {  	vm1 =	vge.s32 v6, $0x0;
	[tilespmem:s19+$0x2000] =	vst.msk vm0, v6;
	v7 =	vmpcnt.ones.xlane vm0  }
0xbf: {  	[tilespmem:s20+$0x2020] =	vst.msk vm1, v6  }
0xc0: {  	v6 =	vld [tilespmem:s16+$0x30];
	(v2sf) =	vpush v7, $0x0;
	_ =	sdelay $0x4  }
0xc1: {  	vm0 =	vlt.s32 v6, $0x0;
	v7 =	vxor.u32 $0xFFFFFFFF, v6;
	v6 =	vor.u32 $0x80000000, v6  }
0xc2: {  	v6 =	vsel vm0, v7, v6  }
0xc3: {  	vm0 =	vlt.s32 v6, $0x0  }
0xc4: {  	v7 =	vmpcnt.ones.xlane vm0;
	_ =	sdelay $0x1  }
0xc5: {  	(v2sf) =	vpush v7, $0x0;
	_ =	sdelay $0x4  }
0xc6: {  	s16 =	spop (v2sf)  }
0xc7: {  	s19 =	sadd.s32 s19, s16  }
0xc8: {  	vm1 =	vge.s32 v6, $0x0;
	s20 =	ssub.s32 s20, s16;
	[tilespmem:s19+$0x2000] =	vst.msk vm0, v6  }
0xc9: {  	s16 =	sshra.s32 s18, $0x2;
	[tilespmem:s20+$0x2030] =	vst.msk vm1, v6  }
0xca: {  	v6 =	vld [tilespmem:s16+$0x0];
	_ =	sdelay $0x2  }
.Ltmp4:
0xcb: {  	(pc) =	sbr.rel @p1 .LBB2_3-.Ltmp4, $4  }
0xcc: {  	_ = 	snop  }
0xcd: {  	vm0 =	vlt.s32 v6, $0x0;
	v7 =	vxor.u32 $0xFFFFFFFF, v6;
	v6 =	vor.u32 $0x80000000, v6  }
0xce: {  	v6 =	vsel vm0, v7, v6;
	s18 =	spop (v2sf)  }
0xcf: {  	vm0 =	vge.s32 v6, $0x0;
	vm1 =	vlt.s32 v6, $0x0;
	s19 =	sadd.s32 s19, s18;
	s18 =	ssub.s32 s20, s18  }
0xd0: {  	[tilespmem:s19+$0x2000] =	vst.msk vm1, v6;
	v7 =	vmpcnt.ones.xlane vm1;
	s17 =	sadd.s32 $0x40, s18  }
0xd1: {  	[tilespmem:s17+$0x2000] =	vst.msk vm0, v6  }
0xd2: {  	v6 =	vld [tilespmem:s16+$0x10];
	(v2sf) =	vpush v7, $0x0;
	_ =	sdelay $0x4  }
0xd3: {  	vm9 =	vlt.s32 v6, $0x0;
	v7 =	vxor.u32 $0xFFFFFFFF, v6;
	v6 =	vor.u32 $0x80000000, v6  }
0xd4: {  	v6 =	vsel vm9, v7, v6  }
0xd5: {  	vm0 =	vlt.s32 v6, $0x0  }
0xd6: {  	v7 =	vmpcnt.ones.xlane vm0;
	_ =	sdelay $0x1  }
0xd7: {  	(v2sf) =	vpush v7, $0x0;
	_ =	sdelay $0x4  }
0xd8: {  	s26 =	spop (v2sf)  }
0xd9: {  	s28 =	sadd.s32 s19, s26  }
0xda: {  	vm10 =	vge.s32 v6, $0x0;
	s17 =	ssub.s32 s17, s26;
	[tilespmem:s28+$0x2000] =	vst.msk vm0, v6  }
0xdb: {  	[tilespmem:s17+$0x2010] =	vst.msk vm10, v6  }
0xdc: {  	v6 =	vld [tilespmem:s16+$0x20];
	_ =	sdelay $0x4  }
0xdd: {  	vm11 =	vlt.s32 v6, $0x0;
	v7 =	vxor.u32 $0xFFFFFFFF, v6;
	v6 =	vor.u32 $0x80000000, v6  }
0xde: {  	v6 =	vsel vm11, v7, v6;
	s29 =	spop (v2sf)  }
0xdf: {  	s19 =	sadd.s32 s28, s29;
	vm0 =	vlt.s32 v6, $0x0  }
0xe0: {  	s17 =	ssub.s32 s17, s29;
	vm12 =	vge.s32 v6, $0x0;
	[tilespmem:s19+$0x2000] =	vst.msk vm0, v6  }
0xe1: {  	[tilespmem:s17+$0x2020] =	vst.msk vm12, v6  }
0xe2: {  	v6 =	vld [tilespmem:s16+$0x30];
	_ =	sdelay $0x4  }
0xe3: {  	vm13 =	vlt.s32 v6, $0x0;
	v7 =	vxor.u32 $0xFFFFFFFF, v6;
	v6 =	vor.u32 $0x80000000, v6  }
0xe4: {  	v6 =	vsel vm13, v7, v6  }
0xe5: {  	v7 =	vmpcnt.ones.xlane vm0;
	vm14 =	vlt.s32 v6, $0x0  }
0xe6: {  	v8 =	vmpcnt.ones.xlane vm14  }
0xe7: {  	(v2sf) =	vpush v7, $0x0  }
0xe8: {  	(v2sf) =	vpush v8, $0x0;
	_ =	sdelay $0xd  }
0xe9: {  	s21 =	spop (v2sf)  }
0xea: {  	s19 =	sadd.s32 s19, s21;
	s30 =	spop (v2sf)  }
0xeb: {  	s20 =	sadd.s32 s19, s30  }
0xec: {  	p1 =	sgt.s32 s20, $0x3F;
	s16 =	smov.u32 s20  }
0xed: {  	s16 =	simm.s32 @p1 $0x0  }
0xee: {  	s31 =	sadd.s32 $0xF, s16  }
0xef: {  	s18 =	sshra.s32 s31, $0x4  }
0xf0: {  	p2 =	slt.s32 s18, $0x1  }
.Ltmp5:
0xf1: {  	_ = 	snop;
	(pc) =	sbr.rel @p2 .LBB2_5-.Ltmp5, $3  }
0xf2: {  	_ =	sdelay $0x1  }
0xf3: {  	vm15 =	vge.s32 v6, $0x0;
	s17 =	ssub.s32 s17, s21;
	[tilespmem:s19+$0x2000] =	vst.msk vm14, v6  }
0xf4: {  	[tilespmem:s17+$0x2030] =	vst.msk vm15, v6  }
0xf5: {  	p4 =	sne.s32 s18, $0x1  }
.Ltmp6:
0xf6: {  	_ = 	snop;
	(pc) =	sbr.rel @!p4 .LBB2_7-.Ltmp6, $3  }
0xf7: {  	_ =	sdelay $0x1  }
0xf8: {  	s19 =	simm.s32 $0x2000;
	s17 =	simm.s32 $0x0  }
0xf9: {  	v6 =	vmov s16;
	s18 =	sadd.s32 $0xFFFFFFFF, s18;
	p2 =	por $0x0, $0x0;
	p3 =	por $0x0, $0x0;
	v7 =	vld [tilespmem:s19+$0x0]  }
0xfa: {  	_ =	sdelay $0x1  }
0xfb: {  	p4 =	sne.s32 s18, $0x1  }
.Ltmp7:
0xfc: {  	v8 =	vor.u32 s17, v0;
	(pc) =	sbr.rel @!p4 .LBB2_9-.Ltmp7, $4  }
0xfd: {  	vm0 =	vlt.s32 v7, $0x0;
	v9 =	vand.u32 $0x7FFFFFFF, v7;
	v7 =	vxor.u32 $0xFFFFFFFF, v7  }
0xfe: {  	vm1 =	vlt.s32 v8, v6;
	v7 =	vsel vm0, v9, v7  }
0xff: {  	s19 =	simm.s32 $0x2010;
	[tilespmem:s17+$0x8080] =	vst.msk vm1, v7  }
0x100: {  	s21 =	sadd.s32 $0xFFFFFFFF, s18;
	p2 =	por $0x1, $0x1;
	v7 =	vld [tilespmem:s19+$0x0]  }
0x101: {  	_ =	sdelay $0x1  }
0x102: {  	s18 =	simm.s32 $0x10;
	p4 =	sne.s32 s21, $0x1  }
.Ltmp8:
0x103: {  	p3 =	slt.s32 s16, $0x10;
	s19 =	smov.u32 s16;
	v8 =	vor.u32 s18, v0;
	(pc) =	sbr.rel @!p4 .LBB2_11-.Ltmp8, $4  }
0x104: {  	s19 =	simm.s32 @!p3 $0x10;
	vm0 =	vlt.s32 v7, $0x0;
	v9 =	vand.u32 $0x7FFFFFFF, v7;
	v7 =	vxor.u32 $0xFFFFFFFF, v7  }
0x105: {  	vm1 =	vlt.s32 v8, v6;
	s19 =	sadd.s32 $0x0, s19;
	v7 =	vsel vm0, v9, v7  }
0x106: {  	s22 =	simm.s32 $0x2020;
	[tilespmem:s19+$0x8080] =	vst.msk vm1, v7  }
0x107: {  	s23 =	sadd.s32 $0xFFFFFFFF, s21;
	s21 =	smov.u32 s16;
	p3 =	por $0x1, $0x1;
	v7 =	vld [tilespmem:s22+$0x0]  }
.LBB2_12:
0x108: {  	p4 =	sne.s32 s23, $0x1;
	_ =	sdelay $0x1  }
0x109: {  	s18 =	sadd.s32 $0x10, s18;
	s21 =	sadd.s32 $0xFFFFFFF0, s21  }
.Ltmp9:
0x10a: {  	v8 =	vor.u32 s18, v0;
	p5 =	slt.s32 s21, $0x10;
	s24 =	smov.u32 s21;
	(pc) =	sbr.rel @p4 .LBB2_12-.Ltmp9, $4  }
0x10b: {  	s24 =	simm.s32 @!p5 $0x10;
	vm0 =	vlt.s32 v7, $0x0;
	v9 =	vand.u32 $0x7FFFFFFF, v7;
	v7 =	vxor.u32 $0xFFFFFFFF, v7  }
0x10c: {  	vm1 =	vlt.s32 v8, v6;
	s19 =	sadd.s32 s19, s24;
	v7 =	vsel vm0, v9, v7  }
0x10d: {  	s22 =	sadd.s32 $0x10, s22;
	[tilespmem:s19+$0x8080] =	vst.msk vm1, v7  }
0x10e: {  	s23 =	sadd.s32 $0xFFFFFFFF, s23;
	v7 =	vld [tilespmem:s22+$0x0]  }
.LBB2_13:
0x10f: {  	s21 =	sadd.s32 @p3 $0xFFFFFFF0, s21;
	s22 =	smov.u32 s16  }
0x110: {  	s18 =	sadd.s32 @p2 $0x10, s18;
	s22 =	smov.u32 @p3 s21;
	s21 =	simm.s32 $0x0  }
0x111: {  	p3 =	slt.s32 @p2 s22, $0x10;
	s21 =	smov.u32 @p2 s18  }
.Ltmp10:
0x112: {  	s18 =	sadd.s32 @p2 $0xFFFFFFF0, s22;
	p3 =	por !p3, !p2;
	(pc) =	sbr.rel .LBB2_14-.Ltmp10, $4  }
0x113: {  	v8 =	vor.u32 s21, v0;
	s16 =	smov.u32 @p2 s18;
	s22 =	simm.s32 @p3 $0x10  }
0x114: {  	vm0 =	vlt.s32 v7, $0x0;
	v9 =	vand.u32 $0x7FFFFFFF, v7;
	v7 =	vxor.u32 $0xFFFFFFFF, v7;
	p3 =	slt.s32 s16, $0x10;
	s18 =	sadd.s32 @p2 s19, s22  }
0x115: {  	vm1 =	vlt.s32 v8, v6;
	v6 =	vsel vm0, v9, v7;
	s16 =	simm.s32 @!p3 $0x10;
	s17 =	smov.u32 @p2 s18  }
0x116: {  	[tilespmem:s17+$0x8080] =	vst.msk vm1, v6;
	s16 =	sadd.s32 s17, s16  }
.LBB2_5:
0x117: {  	s16 =	simm.s32 $0x0  }
.LBB2_14:
0x118: {  	s18 =	ssub.s32 $0x2000, s20  }
0x119: {  	s18 =	smov.u32 @p1 s20  }
0x11a: {  	p2 =	slt.s32 s18, $0x41  }
.Ltmp11:
0x11b: {  	_ = 	snop;
	(pc) =	sbr.rel @p2 .LBB2_33-.Ltmp11, $3  }
0x11c: {  	_ =	sdelay $0x1  }
0x11d: {  	s17 =	simm.s32 $0x0  }
0x11e: {  	s17 =	simm.s32 @!p1 $0x2000  }
.Ltmp12:
0x11f: {  	(pc) =	sbr.rel .LBB2_16-.Ltmp12, $3  }
0x120: {  	_ =	sdelay $0x1  }
0x121: {  	s19 =	simm.s32 $0x2000;
	s20 =	ssub.s32 $0x40, s20;
	s21 =	simm.s32 $0x4000  }
0x122: {  	s22 =	simm.s32 $0x0;
	s19 =	simm.s32 @!p1 $0x0;
	s20 =	simm.s32 @p1 $0x40  }
.LBB2_24:
0x123: {  	s26 =	simm.s32 $0x0;
	s24 =	smov.u32 s0;
	s28 =	smov.u32 s16  }
.LBB2_30:
0x124: {  	s24 =	sadd.s32 @p3 $0xFFFFFFF0, s24;
	s29 =	smov.u32 s0  }
0x125: {  	s29 =	smov.u32 @p3 s24  }
0x126: {  	s24 =	sadd.s32 @p2 $0x10, s26;
	p3 =	slt.s32 @p2 s29, $0x10  }
0x127: {  	s25 =	smov.u32 @p2 s24;
	p3 =	por !p3, !p2  }
0x128: {  	s24 =	sadd.s32 @p2 $0xFFFFFFF0, s29;
	v8 =	vor.u32 s25, v0;
	s25 =	smov.u32 s0;
	s29 =	simm.s32 @p3 $0x10  }
0x129: {  	s25 =	smov.u32 @p2 s24;
	s26 =	sadd.s32 @p2 s28, s29  }
0x12a: {  	vm0 =	vlt.s32 v7, $0x0;
	v9 =	vand.u32 $0x7FFFFFFF, v7;
	v7 =	vxor.u32 $0xFFFFFFFF, v7;
	s16 =	smov.u32 @p2 s26;
	p2 =	slt.s32 s25, $0x10  }
0x12b: {  	vm1 =	vlt.s32 v8, v6;
	v6 =	vsel vm0, v9, v7;
	s25 =	simm.s32 @!p2 $0x10  }
0x12c: {  	[tilespmem:s16+$0x8080] =	vst.msk vm1, v6;
	s16 =	sadd.s32 s16, s25  }
.LBB2_31:
0x12d: {  	s18 =	ssub.s32 s18, s23  }
0x12e: {  	s23 =	smov.u32 @p1 s18  }
0x12f: {  	s25 =	smov.u32 s21;
	p2 =	slt.s32 s23, $0x41  }
0x130: {  	s25 =	smov.u32 @p1 s19;
	s19 =	smov.u32 @p1 s21;
	p1 =	slt.u32 @!p2 s22, $0x1E  }
0x131: {  	p1 =	por p2, !p1  }
.Ltmp13:
0x132: {  	_ = 	snop;
	(pc) =	sbr.rel @p1 .LBB2_32-.Ltmp13, $3  }
0x133: {  	_ =	sdelay $0x1  }
0x134: {  	s20 =	ssub.s32 s20, s0;
	s21 =	smov.u32 s17  }
0x135: {  	s18 =	smov.u32 s23;
	s17 =	smov.u32 s25;
	s22 =	sadd.s32 $0x1, s22  }
.LBB2_16:
0x136: {  	s23 =	sadd.s32 $0x3F, s18  }
0x137: {  	s24 =	sshra.s32 s23, $0x6  }
0x138: {  	p1 =	slt.s32 s24, $0x1  }
.Ltmp14:
0x139: {  	_ = 	snop;
	(pc) =	sbr.rel @p1 .LBB2_22-.Ltmp14, $2  }
0x13a: {  	_ =	sdelay $0x2  }
0x13b: {  	s23 =	smov.u32 s21  }
0x13c: {  	s23 =	sshll.u32 s17, $0x2  }
0x13d: {  	s23 =	sshra.s32 s23, $0x2  }
0x13e: {  	s23 =	sadd.s32 $0x2020, s23  }
0x13f: {  	v7 =	vld [tilespmem:s23+$0xFFFFFFE0]  }
0x140: {  	p2 =	sne.s32 s24, $0x1  }
.Ltmp15:
0x141: {  	_ = 	snop;
	(pc) =	sbr.rel @!p2 .LBB2_18-.Ltmp15, $4  }
0x142: {  	s25 =	sshrl.u32 s12, s22  }
0x143: {  	v6 =	vmov s25  }
0x144: {  	v8 =	vmov s18;
	v9 =	vand.u32 v6, v7  }
0x145: {  	p1 =	por $0x0, $0x0;
	s25 =	sadd.s32 $0xFFFFFFFF, s24;
	vm0 =	vgt.s32 v8, v0;
	vm1 =	veq.s32 v9, $0x0;
	vm2 =	vne.s32 v9, $0x0  }
0x146: {  	vm2 =	vmand vm0, vm2  }
0x147: {  	vm0 =	vmand vm0, vm1;
	[tilespmem:s21+$0x2000] =	vst.msk vm2, v7;
	v8 =	vmpcnt.ones.xlane vm2  }
0x148: {  	[tilespmem:s19+$0x2000] =	vst.msk vm0, v7  }
0x149: {  	v7 =	vld [tilespmem:s23+$0xFFFFFFF0];
	(v2sf) =	vpush v8, $0x0;
	_ =	sdelay $0x3  }
0x14a: {  	s24 =	sadd.s32 $0xFFFFFFF0, s18  }
0x14b: {  	v8 =	vmov s24;
	v9 =	vand.u32 v6, v7  }
0x14c: {  	vm0 =	vgt.s32 v8, v0;
	vm1 =	vne.s32 v9, $0x0  }
0x14d: {  	vm1 =	vmand vm0, vm1  }
0x14e: {  	v8 =	vmpcnt.ones.xlane vm1;
	_ =	sdelay $0x1  }
0x14f: {  	(v2sf) =	vpush v8, $0x0;
	_ =	sdelay $0x2  }
0x150: {  	p1 =	sgt.s32 s18, $0x0;
	s26 =	smov.u32 s18  }
0x151: {  	s26 =	simm.s32 @!p1 $0x0  }
0x152: {  	s26 =	smin.u32 s26, $0x10;
	s28 =	spop (v2sf)  }
0x153: {  	vm2 =	veq.s32 v9, $0x0;
	s29 =	sadd.s32 s21, s28;
	s26 =	ssub.s32 s26, s28  }
0x154: {  	vm0 =	vmand vm0, vm2;
	s26 =	sadd.s32 s19, s26;
	[tilespmem:s29+$0x2000] =	vst.msk vm1, v7  }
0x155: {  	[tilespmem:s26+$0x2000] =	vst.msk vm0, v7  }
0x156: {  	v7 =	vld [tilespmem:s23+$0x0];
	_ =	sdelay $0x3  }
0x157: {  	p1 =	sgt.s32 s24, $0x0;
	s28 =	sadd.s32 $0xFFFFFFE0, s18  }
0x158: {  	s24 =	simm.s32 @!p1 $0x0;
	v8 =	vmov s28;
	v61 =	vand.u32 v6, v7  }
0x159: {  	s24 =	smin.u32 s24, $0x10;
	vm0 =	vgt.s32 v8, v0;
	vm1 =	vne.s32 v61, $0x0;
	s30 =	spop (v2sf)  }
0x15a: {  	vm2 =	veq.s32 v61, $0x0;
	s29 =	sadd.s32 s29, s30;
	s24 =	ssub.s32 s24, s30;
	vm1 =	vmand vm0, vm1  }
0x15b: {  	vm0 =	vmand vm0, vm2;
	s24 =	sadd.s32 s26, s24;
	[tilespmem:s29+$0x2000] =	vst.msk vm1, v7;
	v8 =	vmpcnt.ones.xlane vm1  }
0x15c: {  	[tilespmem:s24+$0x2000] =	vst.msk vm0, v7  }
0x15d: {  	v7 =	vld [tilespmem:s23+$0x10];
	(v2sf) =	vpush v8, $0x0;
	_ =	sdelay $0x3  }
0x15e: {  	s30 =	sadd.s32 $0xFFFFFFD0, s18  }
0x15f: {  	v8 =	vmov s30;
	v62 =	vand.u32 v6, v7  }
0x160: {  	vm0 =	vgt.s32 v8, v0;
	vm1 =	vne.s32 v62, $0x0  }
0x161: {  	vm1 =	vmand vm0, vm1  }
0x162: {  	v8 =	vmpcnt.ones.xlane vm1;
	_ =	sdelay $0x1  }
0x163: {  	(v2sf) =	vpush v8, $0x0;
	_ =	sdelay $0x2  }
0x164: {  	p1 =	sgt.s32 s28, $0x0  }
0x165: {  	s28 =	simm.s32 @!p1 $0x0  }
0x166: {  	s28 =	smin.u32 s28, $0x10;
	s31 =	spop (v2sf)  }
0x167: {  	vm2 =	veq.s32 v62, $0x0;
	s26 =	sadd.s32 s29, s31;
	s28 =	ssub.s32 s28, s31  }
0x168: {  	vm0 =	vmand vm0, vm2;
	s28 =	sadd.s32 s24, s28;
	[tilespmem:s26+$0x2000] =	vst.msk vm1, v7  }
0x169: {  	s23 =	sadd.s32 $0x40, s23;
	[tilespmem:s28+$0x2000] =	vst.msk vm0, v7  }
0x16a: {  	v7 =	vld [tilespmem:s23+$0xFFFFFFE0]  }
0x16b: {  	p2 =	sne.s32 s25, $0x1  }
.Ltmp16:
0x16c: {  	_ = 	snop;
	(pc) =	sbr.rel @!p2 .LBB2_21-.Ltmp16, $4  }
0x16d: {  	p1 =	sgt.s32 s30, $0x0  }
0x16e: {  	s30 =	simm.s32 @!p1 $0x0;
	s24 =	sadd.s32 $0xFFFFFFC0, s18  }
0x16f: {  	s25 =	sadd.s32 $0xFFFFFFFF, s25;
	s29 =	smin.u32 s30, $0x10;
	v8 =	vmov s24;
	v63 =	vand.u32 v6, v7  }
0x170: {  	p1 =	por $0x1, $0x1;
	s29 =	sadd.s32 s29, s28;
	vm0 =	vgt.s32 v8, v0;
	vm1 =	veq.s32 v63, $0x0;
	vm2 =	vne.s32 v63, $0x0;
	s28 =	spop (v2sf)  }
.LBB2_20:
0x171: {  	p2 =	sne.s32 s25, $0x1;
	vm2 =	vmand vm0, vm2;
	s26 =	sadd.s32 s26, s28;
	s28 =	ssub.s32 s29, s28  }
0x172: {  	s25 =	sadd.s32 $0xFFFFFFFF, s25;
	vm0 =	vmand vm0, vm1;
	[tilespmem:s26+$0x2000] =	vst.msk vm2, v7;
	v8 =	vmpcnt.ones.xlane vm2  }
0x173: {  	[tilespmem:s28+$0x2000] =	vst.msk vm0, v7  }
0x174: {  	v7 =	vld [tilespmem:s23+$0xFFFFFFF0];
	(v2sf) =	vpush v8, $0x0;
	_ =	sdelay $0x3  }
0x175: {  	s29 =	sadd.s32 $0xFFFFFFF0, s24  }
0x176: {  	p3 =	sgt.s32 s29, $0x0;
	v8 =	vmov s29;
	v9 =	vand.u32 v6, v7  }
0x177: {  	s29 =	simm.s32 @!p3 $0x0;
	vm0 =	vgt.s32 v8, v0;
	vm1 =	veq.s32 v9, $0x0;
	vm2 =	vne.s32 v9, $0x0  }
0x178: {  	vm2 =	vmand vm0, vm2  }
0x179: {  	v8 =	vmpcnt.ones.xlane vm2;
	_ =	sdelay $0x1  }
0x17a: {  	(v2sf) =	vpush v8, $0x0;
	_ =	sdelay $0x2  }
0x17b: {  	s30 =	smov.u32 s24;
	p3 =	sgt.s32 s24, $0x0  }
0x17c: {  	s30 =	simm.s32 @!p3 $0x0  }
0x17d: {  	s30 =	smin.u32 s30, $0x10;
	s31 =	spop (v2sf)  }
0x17e: {  	s26 =	sadd.s32 s26, s31;
	s30 =	ssub.s32 s30, s31  }
0x17f: {  	vm0 =	vmand vm0, vm1;
	s28 =	sadd.s32 s28, s30;
	[tilespmem:s26+$0x2000] =	vst.msk vm2, v7  }
0x180: {  	[tilespmem:s28+$0x2000] =	vst.msk vm0, v7  }
0x181: {  	v7 =	vld [tilespmem:s23+$0x0];
	_ =	sdelay $0x3  }
0x182: {  	s30 =	sadd.s32 $0xFFFFFFE0, s24  }
0x183: {  	v8 =	vmov s30;
	p3 =	sgt.s32 s30, $0x0;
	v9 =	vand.u32 v6, v7  }
0x184: {  	s29 =	smin.u32 s29, $0x10;
	vm0 =	vgt.s32 v8, v0;
	s30 =	simm.s32 @!p3 $0x0;
	vm1 =	veq.s32 v9, $0x0;
	vm2 =	vne.s32 v9, $0x0;
	s31 =	spop (v2sf)  }
0x185: {  	s26 =	sadd.s32 s26, s31;
	s29 =	ssub.s32 s29, s31;
	vm2 =	vmand vm0, vm2  }
0x186: {  	vm0 =	vmand vm0, vm1;
	s28 =	sadd.s32 s28, s29;
	[tilespmem:s26+$0x2000] =	vst.msk vm2, v7;
	v8 =	vmpcnt.ones.xlane vm2  }
0x187: {  	[tilespmem:s28+$0x2000] =	vst.msk vm0, v7  }
0x188: {  	v7 =	vld [tilespmem:s23+$0x10];
	(v2sf) =	vpush v8, $0x0;
	_ =	sdelay $0x3  }
0x189: {  	s29 =	sadd.s32 $0xFFFFFFD0, s24  }
0x18a: {  	p3 =	sgt.s32 s29, $0x0;
	v8 =	vmov s29;
	v9 =	vand.u32 v6, v7  }
0x18b: {  	s29 =	simm.s32 @!p3 $0x0;
	vm0 =	vgt.s32 v8, v0;
	vm1 =	veq.s32 v9, $0x0;
	vm2 =	vne.s32 v9, $0x0  }
0x18c: {  	vm2 =	vmand vm0, vm2  }
0x18d: {  	v8 =	vmpcnt.ones.xlane vm2;
	_ =	sdelay $0x1  }
0x18e: {  	(v2sf) =	vpush v8, $0x0;
	_ =	sdelay $0x4  }
0x18f: {  	s30 =	smin.u32 s30, $0x10;
	s31 =	spop (v2sf)  }
0x190: {  	s26 =	sadd.s32 s26, s31;
	s30 =	ssub.s32 s30, s31  }
0x191: {  	vm0 =	vmand vm0, vm1;
	s28 =	sadd.s32 s28, s30;
	[tilespmem:s26+$0x2000] =	vst.msk vm2, v7  }
0x192: {  	s23 =	sadd.s32 $0x40, s23;
	[tilespmem:s28+$0x2000] =	vst.msk vm0, v7  }
0x193: {  	v7 =	vld [tilespmem:s23+$0xFFFFFFE0];
	_ =	sdelay $0x1  }
.Ltmp17:
0x194: {  	(pc) =	sbr.rel @p2 .LBB2_20-.Ltmp17, $4  }
0x195: {  	_ = 	snop  }
0x196: {  	s24 =	sadd.s32 $0xFFFFFFC0, s24  }
0x197: {  	s29 =	smin.u32 s29, $0x10;
	v8 =	vmov s24;
	v9 =	vand.u32 v6, v7  }
0x198: {  	vm0 =	vgt.s32 v8, v0;
	s29 =	sadd.s32 s29, s28;
	vm1 =	veq.s32 v9, $0x0;
	vm2 =	vne.s32 v9, $0x0;
	s28 =	spop (v2sf)  }
.LBB2_21:
0x199: {  	s25 =	sadd.s32 @p1 s26, s28;
	s26 =	smov.u32 s21  }
0x19a: {  	vm2 =	vmand vm0, vm2;
	s28 =	ssub.s32 @p1 s29, s28;
	s26 =	smov.u32 @p1 s25;
	s25 =	smov.u32 s19  }
0x19b: {  	vm6 =	vmand vm0, vm1;
	v8 =	vmpcnt.ones.xlane vm2;
	[tilespmem:s26+$0x2000] =	vst.msk vm2, v7;
	s25 =	smov.u32 @p1 s28  }
0x19c: {  	[tilespmem:s25+$0x2000] =	vst.msk vm6, v7  }
0x19d: {  	(v2sf) =	vpush v8, $0x0;
	v7 =	vld [tilespmem:s23+$0xFFFFFFF0];
	_ =	sdelay $0x3  }
0x19e: {  	s28 =	sadd.s32 $0xFFFFFFF0, s24  }
0x19f: {  	v57 =	vmov s28;
	v9 =	vand.u32 v6, v7  }
0x1a0: {  	vm7 =	vgt.s32 v57, v0;
	vm8 =	vne.s32 v9, $0x0  }
0x1a1: {  	vm1 =	vmand vm7, vm8  }
0x1a2: {  	v58 =	vmpcnt.ones.xlane vm1;
	_ =	sdelay $0x1  }
0x1a3: {  	(v2sf) =	vpush v58, $0x0;
	_ =	sdelay $0x2  }
0x1a4: {  	s29 =	smov.u32 s24;
	p1 =	sgt.s32 s24, $0x0  }
0x1a5: {  	s29 =	simm.s32 @!p1 $0x0  }
0x1a6: {  	s29 =	smin.u32 s29, $0x10;
	s30 =	spop (v2sf)  }
0x1a7: {  	vm9 =	veq.s32 v9, $0x0;
	s26 =	sadd.s32 s26, s30;
	s29 =	ssub.s32 s29, s30  }
0x1a8: {  	vm0 =	vmand vm7, vm9;
	s25 =	sadd.s32 s25, s29;
	[tilespmem:s26+$0x2000] =	vst.msk vm1, v7  }
0x1a9: {  	[tilespmem:s25+$0x2000] =	vst.msk vm0, v7  }
0x1aa: {  	v7 =	vld [tilespmem:s23+$0x0];
	_ =	sdelay $0x3  }
0x1ab: {  	p1 =	sgt.s32 s28, $0x0;
	s29 =	sadd.s32 $0xFFFFFFE0, s24  }
0x1ac: {  	s28 =	simm.s32 @!p1 $0x0;
	v59 =	vmov s29;
	v60 =	vand.u32 v6, v7  }
0x1ad: {  	s28 =	smin.u32 s28, $0x10;
	vm10 =	vgt.s32 v59, v0;
	vm11 =	vne.s32 v60, $0x0;
	s0 =	spop (v2sf)  }
0x1ae: {  	vm12 =	veq.s32 v60, $0x0;
	vm1 =	vmand vm10, vm11;
	s26 =	sadd.s32 s26, s0;
	s28 =	ssub.s32 s28, s0  }
0x1af: {  	vm0 =	vmand vm10, vm12;
	s25 =	sadd.s32 s25, s28;
	[tilespmem:s26+$0x2000] =	vst.msk vm1, v7  }
0x1b0: {  	[tilespmem:s25+$0x2000] =	vst.msk vm0, v7  }
0x1b1: {  	v7 =	vld [tilespmem:s23+$0x10];
	_ =	sdelay $0x3  }
0x1b2: {  	s28 =	sadd.s32 $0xFFFFFFD0, s24  }
0x1b3: {  	v61 =	vmov s28;
	v6 =	vand.u32 v6, v7  }
0x1b4: {  	v62 =	vmpcnt.ones.xlane vm1;
	vm13 =	vgt.s32 v61, v0;
	vm14 =	vne.s32 v6, $0x0  }
0x1b5: {  	vm1 =	vmand vm13, vm14  }
0x1b6: {  	(v2sf) =	vpush v62, $0x0;
	v63 =	vmpcnt.ones.xlane vm1;
	_ =	sdelay $0x1  }
0x1b7: {  	(v2sf) =	vpush v63, $0x0;
	_ =	sdelay $0xa  }
0x1b8: {  	p1 =	sgt.s32 s29, $0x0  }
0x1b9: {  	s29 =	simm.s32 @!p1 $0x0  }
0x1ba: {  	s29 =	smin.u32 s29, $0x10;
	s30 =	spop (v2sf)  }
0x1bb: {  	vm15 =	veq.s32 v6, $0x0;
	s26 =	sadd.s32 s26, s30;
	s23 =	ssub.s32 s29, s30  }
0x1bc: {  	vm0 =	vmand vm13, vm15;
	s23 =	sadd.s32 s25, s23;
	[tilespmem:s26+$0x2000] =	vst.msk vm1, v7;
	s31 =	spop (v2sf)  }
0x1bd: {  	[tilespmem:s23+$0x2000] =	vst.msk vm0, v7;
	s23 =	sadd.s32 s26, s31  }
.LBB2_22:
0x1be: {  	s23 =	ssub.s32 s23, s21  }
0x1bf: {  	p1 =	slt.s32 s23, s20;
	s0 =	smov.u32 s23  }
0x1c0: {  	s0 =	simm.s32 @!p1 $0x0  }
0x1c1: {  	s25 =	sadd.s32 $0xF, s0  }
0x1c2: {  	s28 =	sshra.s32 s25, $0x4  }
0x1c3: {  	p2 =	slt.s32 s28, $0x1  }
.Ltmp18:
0x1c4: {  	_ = 	snop;
	(pc) =	sbr.rel @p2 .LBB2_31-.Ltmp18, $1  }
0x1c5: {  	_ =	sdelay $0x3  }
0x1c6: {  	p4 =	sne.s32 s28, $0x1  }
.Ltmp19:
0x1c7: {  	_ = 	snop;
	(pc) =	sbr.rel @!p4 .LBB2_24-.Ltmp19, $3  }
0x1c8: {  	_ =	sdelay $0x1  }
0x1c9: {  	s26 =	sadd.s32 $0x2000, s21;
	s25 =	simm.s32 $0x0  }
0x1ca: {  	v6 =	vmov s0;
	s28 =	sadd.s32 $0xFFFFFFFF, s28;
	p2 =	por $0x0, $0x0;
	p3 =	por $0x0, $0x0;
	v7 =	vld [tilespmem:s26+$0x0]  }
0x1cb: {  	_ =	sdelay $0x1  }
0x1cc: {  	p4 =	sne.s32 s28, $0x1  }
.Ltmp20:
0x1cd: {  	v8 =	vor.u32 s25, v0;
	(pc) =	sbr.rel @!p4 .LBB2_26-.Ltmp20, $4  }
0x1ce: {  	vm0 =	vlt.s32 v7, $0x0;
	v9 =	vand.u32 $0x7FFFFFFF, v7;
	v7 =	vxor.u32 $0xFFFFFFFF, v7  }
0x1cf: {  	vm1 =	vlt.s32 v8, v6;
	v7 =	vsel vm0, v9, v7  }
0x1d0: {  	s29 =	sadd.s32 $0x10, s26;
	[tilespmem:s16+$0x8080] =	vst.msk vm1, v7  }
0x1d1: {  	s31 =	sadd.s32 $0xFFFFFFFF, s28;
	p2 =	por $0x1, $0x1;
	v7 =	vld [tilespmem:s29+$0x0]  }
0x1d2: {  	_ =	sdelay $0x1  }
0x1d3: {  	s26 =	simm.s32 $0x10;
	p4 =	sne.s32 s31, $0x1  }
.Ltmp21:
0x1d4: {  	p3 =	slt.s32 s0, $0x10;
	s28 =	smov.u32 s0;
	v8 =	vor.u32 s26, v0;
	(pc) =	sbr.rel @!p4 .LBB2_28-.Ltmp21, $4  }
0x1d5: {  	s28 =	simm.s32 @!p3 $0x10;
	vm0 =	vlt.s32 v7, $0x0;
	v9 =	vand.u32 $0x7FFFFFFF, v7;
	v7 =	vxor.u32 $0xFFFFFFFF, v7  }
0x1d6: {  	vm1 =	vlt.s32 v8, v6;
	s28 =	sadd.s32 s16, s28;
	v7 =	vsel vm0, v9, v7  }
0x1d7: {  	s30 =	sadd.s32 $0x10, s29;
	[tilespmem:s28+$0x8080] =	vst.msk vm1, v7  }
0x1d8: {  	s31 =	sadd.s32 $0xFFFFFFFF, s31;
	s24 =	smov.u32 s0;
	p3 =	por $0x1, $0x1;
	v7 =	vld [tilespmem:s30+$0x0]  }
.LBB2_29:
0x1d9: {  	p4 =	sne.s32 s31, $0x1;
	_ =	sdelay $0x1  }
0x1da: {  	s26 =	sadd.s32 $0x10, s26;
	s24 =	sadd.s32 $0xFFFFFFF0, s24  }
.Ltmp22:
0x1db: {  	v8 =	vor.u32 s26, v0;
	p5 =	slt.s32 s24, $0x10;
	s29 =	smov.u32 s24;
	(pc) =	sbr.rel @p4 .LBB2_29-.Ltmp22, $4  }
0x1dc: {  	vm0 =	vlt.s32 v7, $0x0;
	v9 =	vand.u32 $0x7FFFFFFF, v7;
	v7 =	vxor.u32 $0xFFFFFFFF, v7;
	s29 =	simm.s32 @!p5 $0x10  }
0x1dd: {  	v7 =	vsel vm0, v9, v7;
	vm1 =	vlt.s32 v8, v6;
	s28 =	sadd.s32 s28, s29  }
0x1de: {  	s30 =	sadd.s32 $0x10, s30;
	[tilespmem:s28+$0x8080] =	vst.msk vm1, v7  }
0x1df: {  	s31 =	sadd.s32 $0xFFFFFFFF, s31;
	v7 =	vld [tilespmem:s30+$0x0]  }
.Ltmp23:
0x1e0: {  	_ = 	snop;
	(pc) =	sbr.rel .LBB2_30-.Ltmp23, $1  }
0x1e1: {  	_ =	sdelay $0x3  }
.LBB2_18:
.Ltmp24:
0x1e2: {  	(pc) =	sbr.rel .LBB2_21-.Ltmp24, $2  }
0x1e3: {  	_ =	sdelay $0x2  }
0x1e4: {  	s24 =	smov.u32 s18  }
.LBB2_26:
.Ltmp25:
0x1e5: {  	(pc) =	sbr.rel .LBB2_30-.Ltmp25, $2  }
0x1e6: {  	_ =	sdelay $0x2  }
0x1e7: {  	s26 =	simm.s32 $0x0;
	s24 =	smov.u32 s0;
	s28 =	smov.u32 s16  }
.LBB2_28:
.Ltmp26:
0x1e8: {  	(pc) =	sbr.rel .LBB2_30-.Ltmp26, $2  }
0x1e9: {  	_ =	sdelay $0x2  }
0x1ea: {  	s24 =	smov.u32 s0  }
.LBB2_7:
.Ltmp27:
0x1eb: {  	(pc) =	sbr.rel .LBB2_13-.Ltmp27, $2  }
0x1ec: {  	_ =	sdelay $0x2  }
0x1ed: {  	s18 =	simm.s32 $0x0;
	s21 =	smov.u32 s16;
	s19 =	simm.s32 $0x0  }
.LBB2_9:
.Ltmp28:
0x1ee: {  	(pc) =	sbr.rel .LBB2_13-.Ltmp28, $2  }
0x1ef: {  	_ =	sdelay $0x2  }
0x1f0: {  	s18 =	simm.s32 $0x0;
	s21 =	smov.u32 s16;
	s19 =	simm.s32 $0x0  }
.LBB2_11:
.Ltmp29:
0x1f1: {  	(pc) =	sbr.rel .LBB2_13-.Ltmp29, $2  }
0x1f2: {  	_ =	sdelay $0x2  }
0x1f3: {  	s21 =	smov.u32 s16  }
.LBB2_35:
0x1f4: {  	_ =	sfence.sel $0x180000  }
0x1f5: {  	[bflag:$0x0] =	sbarrier.arrive $0xFFFF  }
0x1f6: {  	_ =	strace $0x90000047  }
0x1f7: {  	[bflag:$0x2] =	sbarrier.arrive $0xFFFF  }
0x1f8: {  	p0 =	sne.s32 s4, $0x0;
	s0 =	rddreg [dreg:$0x2]  }
0x1f9: {  	s0 =	sadd.s32 @!p0 $0x100000, s0  }
0x1fa: {  	[sflag:s0] =	ssyncadd.tile.s32 @!p0 $0x1;
	_ =	shalt  }
.Lfunc_end2:
_tile_overlayer_lowered:
.L_overlay_start_2:
0x1fb: {  	(tag) =	ssettag $0x2  }
0x1fc: {  	s0 =	rddreg [dreg:$0x0];
	s2 =	stileid.u32  }
0x1fd: {  	s1 =	rddreg [dreg:$0x1];
	p0 =	sne.s32 s2, $0x0  }
0x1fe: {  	s3 =	rddreg [dreg:$0x2];
	[bflag:$0x3] =	sbarrier.arrive $0xFFFF;
	s2 =	simm.s32 @!p0 $0x1C01  }
0x1ff: {  	[timem:s3], [sflag:s2] =	dma.local @!p0 [hbm:s0], s1  }
0x200: {  	s0 =	simm.s32 @!p0 $0x1  }
0x201: {  	_ =	swait.ge @!p0 [sflag:s0], s1  }
0x202: {  	s1 =	ssub.s32 @!p0 $0x0, s1;
	[sflag:s0] =	ssyncset.done @!p0 $0x0  }
0x203: {  	[sflag:s0] =	ssyncadd.s32 @!p0 s1  }
0x204: {  	[bflag:$0x3] =	sbarrier.arrive $0xFFFF  }
0x205: {  	_ =	shalt  }

</sc_bundles>
